<compile_context>
chip_gen: v7x
topology: tpu7x:2x2x1
jax: 0.10.2.dev20260603
libtpu: 0.0.44.dev20260713+nightly
codegen_flags: <defaults>
</compile_context>

<pallas_src>
import functools

import jax
import jax.numpy as jnp
from jax import lax
from jax.experimental import pallas as pl
from jax.experimental.pallas import tpu as pltpu
from jax.experimental.pallas import tpu_sc as plsc

N_NODES = 10000
EMB = 128
N_EDGES = 320000

FPT = 4
NP = 10112
CH = 2048
NCH = 157
EPAD = NCH * CH
PADCODE = 60

_mesh = plsc.VectorSubcoreMesh(core_axis_name="c", subcore_axis_name="s")


@functools.partial(
    pl.kernel,
    out_type=jax.ShapeDtypeStruct((2, 16, FPT * NP), jnp.float32),
    mesh=_mesh,
    compiler_params=pltpu.CompilerParams(
        use_tc_tiling_on_sc=False, needs_layout_passes=False),
    scratch_types=(
        pltpu.VMEM((FPT * NP,), jnp.float32),
        pltpu.VMEM((NP,), jnp.float32),
        pltpu.VMEM((NP,), jnp.float32),
        pltpu.VMEM((NP,), jnp.float32),
        pltpu.VMEM((NP,), jnp.float32),
        pltpu.VMEM((FPT * 64,), jnp.float32),
        pltpu.VMEM((3, CH), jnp.int32),
        pltpu.VMEM((3, CH), jnp.int32),
        pltpu.SemaphoreType.DMA,
        pltpu.SemaphoreType.DMA,
    ),
)
def _sc_agg(xt_hbm, ct_hbm, ep_hbm, out_hbm, xv, a0, a1, a2, a3, ctv,
            ib0, ib1, s0, s1):
    accs = (a0, a1, a2, a3)
    c = lax.axis_index("c")
    s = lax.axis_index("s")
    ibs = (ib0, ib1)
    sems = (s0, s1)

    pltpu.make_async_copy(ep_hbm.at[0], ib0, s0).start()
    pltpu.sync_copy(xt_hbm.at[c, s], xv)
    pltpu.sync_copy(ct_hbm.at[c, s], ctv)

    def zrow(i, carry):
        for r in range(FPT):
            accs[r][pl.ds(i * 16, 16)] = jnp.zeros((16,), jnp.float32)
        return carry
    lax.fori_loop(0, NP // 16, zrow, 0)

    def pair_body(pair, carry):
        for b in range(2):
            ck = 2 * pair + b

            @pl.when(ck < NCH)
            def _(ck=ck, b=b):
                pltpu.make_async_copy(ep_hbm.at[ck], ibs[b], sems[b]).wait()

                @pl.when(ck + 1 < NCH)
                def _(ck=ck, b=b):
                    pltpu.make_async_copy(
                        ep_hbm.at[ck + 1], ibs[1 - b], sems[1 - b]).start()

                def grp(g, cc):
                    sl = pl.ds(g * 16, 16)
                    srcv = ibs[b][0, sl]
                    dstv = ibs[b][1, sl]
                    codev = ibs[b][2, sl]
                    for r in range(FPT):
                        xg = plsc.load_gather(xv, [srcv + (r * NP)])
                        cg = plsc.load_gather(ctv, [codev + (r * 64)])
                        m = jnp.maximum(xg + cg, 0.0)
                        plsc.addupdate_scatter(accs[r], [dstv], m)
                    return cc
                lax.fori_loop(0, CH // 16, grp, 0)
        return carry

    lax.fori_loop(0, (NCH + 1) // 2, pair_body, 0)

    for r in range(FPT):
        pltpu.sync_copy(accs[r], out_hbm.at[c, s, pl.ds(r * NP, NP)])


def _mlp_body(relu_out, xr, ar, epsr, w1r, b1r, g1r, be1r, w2r, b2r, g2r,
              be2r, outr):
    h = epsr[...] * xr[...] + ar[...]
    t = jnp.dot(w1r[...], h, preferred_element_type=jnp.float32) + b1r[...]
    mask = lax.broadcasted_iota(jnp.int32, (1, NP), 1) < N_NODES
    tm = jnp.where(mask, t, 0.0)
    mu = jnp.sum(tm, axis=1, keepdims=True) * (1.0 / N_NODES)
    d = t - mu
    dm = jnp.where(mask, d, 0.0)
    var = jnp.sum(dm * dm, axis=1, keepdims=True) * (1.0 / N_NODES)
    t = g1r[...] * d * lax.rsqrt(var + 1e-5) + be1r[...]
    t = jnp.maximum(t, 0.0)
    h2 = jnp.dot(w2r[...], t, preferred_element_type=jnp.float32) + b2r[...]
    m2 = jnp.where(mask, h2, 0.0)
    mu2 = jnp.sum(m2, axis=1, keepdims=True) * (1.0 / N_NODES)
    d2 = h2 - mu2
    dm2 = jnp.where(mask, d2, 0.0)
    var2 = jnp.sum(dm2 * dm2, axis=1, keepdims=True) * (1.0 / N_NODES)
    h2 = g2r[...] * d2 * lax.rsqrt(var2 + 1e-5) + be2r[...]
    if relu_out:
        h2 = jnp.maximum(h2, 0.0)
    outr[...] = h2


def _mlp_t(xt, aggt, p, relu_out):
    body = functools.partial(_mlp_body, relu_out)
    epsb = jnp.broadcast_to(1.0 + p["eps"], (1, 1))
    return pl.pallas_call(
        body,
        out_shape=jax.ShapeDtypeStruct((EMB, NP), jnp.float32),
    )(xt, aggt, epsb,
      p["W1"].T, p["b1"].reshape(-1, 1), p["bn1_g"].reshape(-1, 1),
      p["bn1_b"].reshape(-1, 1),
      p["W2"].T, p["b2"].reshape(-1, 1), p["bn_g"].reshape(-1, 1),
      p["bn_b"].reshape(-1, 1))


def kernel(x, params, edge_index, edge_attr):
    src = edge_index[0]
    dst = edge_index[1]
    code = (edge_attr[:, 0] * 12 + edge_attr[:, 1] * 2
            + edge_attr[:, 2]).astype(jnp.int32)
    pad = EPAD - N_EDGES
    src_f = jnp.concatenate([src, jnp.zeros((pad,), jnp.int32)])
    dst_f = jnp.concatenate([dst, jnp.zeros((pad,), jnp.int32)])
    code_f = jnp.concatenate([code, jnp.full((pad,), PADCODE, jnp.int32)])
    ep = (jnp.stack([src_f, dst_f, code_f], axis=0)
          .reshape(3, NCH, CH).transpose(1, 0, 2))

    xt = jnp.pad(x.T, ((0, 0), (0, NP - N_NODES)))
    nl = len(params["layers"])
    for li, p in enumerate(params["layers"]):
        ctab = (p["bond0"][:, None, None, :] + p["bond1"][None, :, None, :]
                + p["bond2"][None, None, :, :]).reshape(60, EMB)
        ctab = jnp.concatenate(
            [ctab, jnp.full((64 - 60, EMB), -1e30, jnp.float32)])
        ct4 = ctab.T.reshape(2, 16, FPT * 64)
        xt4 = xt.reshape(2, 16, FPT * NP)
        agg4 = _sc_agg(xt4, ct4, ep)
        aggt = agg4.reshape(EMB, NP)
        xt = _mlp_t(xt, aggt, p, relu_out=(li < nl - 1))
    return xt[:, :N_NODES].T

# --- scband reference (transcript-rebuilt; emitter-appended) ---
"""Pipeline reference for scband-gnn-no-atom-28415503630842 (READ-ONLY COPY).

The authoritative reference and input builder live on the scoring server;
editing this copy changes nothing except your own understanding.
"""

import jax, jax.numpy as jnp
import numpy as np

N_NODES = 10000
N_EDGES = 320000
EMB = 128
NUM_LAYER = 2
BOND_DIMS = (5, 6, 2)


def _batchnorm(h, gamma, beta, eps=1e-5):
    mean = jnp.mean(h, axis=0, keepdims=True)
    var = jnp.var(h, axis=0, keepdims=True)
    return gamma * (h - mean) / jnp.sqrt(var + eps) + beta


def _make_layer_params(key):
    ks = jax.random.split(key, 5)
    return {
        "eps": jnp.zeros((), dtype=jnp.float32),
        "W1": jax.random.normal(ks[0], (EMB, 2 * EMB), dtype=jnp.float32) * 0.05,
        "b1": jnp.zeros((2 * EMB,), dtype=jnp.float32),
        "bn1_g": jnp.ones((2 * EMB,), dtype=jnp.float32),
        "bn1_b": jnp.zeros((2 * EMB,), dtype=jnp.float32),
        "W2": jax.random.normal(ks[1], (2 * EMB, EMB), dtype=jnp.float32) * 0.05,
        "b2": jnp.zeros((EMB,), dtype=jnp.float32),
        "bond0": jax.random.normal(ks[2], (BOND_DIMS[0], EMB), dtype=jnp.float32) * 0.05,
        "bond1": jax.random.normal(ks[3], (BOND_DIMS[1], EMB), dtype=jnp.float32) * 0.05,
        "bond2": jax.random.normal(ks[4], (BOND_DIMS[2], EMB), dtype=jnp.float32) * 0.05,
        "bn_g": jnp.ones((EMB,), dtype=jnp.float32),
        "bn_b": jnp.zeros((EMB,), dtype=jnp.float32),
    }


def setup_inputs(seed: int = 0):
    key = jax.random.key(seed)
    ks = jax.random.split(key, 3 + NUM_LAYER)
    x = jax.random.normal(ks[0], (N_NODES, EMB), dtype=jnp.float32)
    edge_index = jax.random.randint(ks[1], (2, N_EDGES), 0, N_NODES, dtype=jnp.int32)
    edge_attr = jax.random.randint(ks[2], (N_EDGES, 3), 0, 2, dtype=jnp.int32)
    params = {"layers": [_make_layer_params(ks[3 + i]) for i in range(NUM_LAYER)]}
    return {"x": x, "params": params, "edge_index": edge_index, "edge_attr": edge_attr}


def _forward(x, params, edge_index, edge_attr):
    # GNN_NoAtom with gnn_type='GIN', JK='last', drop_ratio=0 (dropout is identity)
    src = edge_index[0]
    dst = edge_index[1]
    h_list = [x]
    for layer in range(NUM_LAYER):
        p = params["layers"][layer]
        h_in = h_list[layer]
        # BondEncoder: sum of per-feature embedding lookups
        eemb = p["bond0"][edge_attr[:, 0]] + p["bond1"][edge_attr[:, 1]] + p["bond2"][edge_attr[:, 2]]
        # GINConv message: relu(x_j + edge_attr_emb), aggr='add' at dst
        msg = jax.nn.relu(h_in[src] + eemb)
        agg = jax.ops.segment_sum(msg, dst, num_segments=N_NODES)
        h = (1.0 + p["eps"]) * h_in + agg
        # GIN MLP: Linear -> BN -> ReLU -> Linear
        h = h @ p["W1"] + p["b1"]
        h = _batchnorm(h, p["bn1_g"], p["bn1_b"])
        h = jax.nn.relu(h)
        h = h @ p["W2"] + p["b2"]
        # outer per-layer BatchNorm1d
        h = _batchnorm(h, p["bn_g"], p["bn_b"])
        if layer < NUM_LAYER - 1:
            h = jax.nn.relu(h)
        h_list.append(h)
    return h_list[-1]


def reference(x, params, edge_index, edge_attr):
    return _forward(x, params, edge_index, edge_attr)

if __name__ == "__main__":
    import jax
    _d = setup_inputs()
    print(jax.jit(kernel)(*tuple(_d.values())))

</pallas_src>

<mosaic_0001>
#map = affine_map<(d0, d1) -> (0, 0, 0)>
module attributes {stable_mosaic.version = 14 : i64} {
  func.func @_sc_agg(%arg0: i32, %arg1: i32, %arg2: memref<2x16x40448xf32, #tpu.memory_space<hbm>>, %arg3: memref<2x16x256xf32, #tpu.memory_space<hbm>>, %arg4: memref<157x3x2048xi32, #tpu.memory_space<hbm>>, %arg5: memref<2x16x40448xf32, #tpu.memory_space<hbm>>, %arg6: memref<40448xf32, #tpu.memory_space<vmem>>, %arg7: memref<10112xf32, #tpu.memory_space<vmem>>, %arg8: memref<10112xf32, #tpu.memory_space<vmem>>, %arg9: memref<10112xf32, #tpu.memory_space<vmem>>, %arg10: memref<10112xf32, #tpu.memory_space<vmem>>, %arg11: memref<256xf32, #tpu.memory_space<vmem>>, %arg12: memref<3x2048xi32, #tpu.memory_space<vmem>>, %arg13: memref<3x2048xi32, #tpu.memory_space<vmem>>, %arg14: memref<!tpu.dma_semaphore, #tpu.memory_space<semaphore_mem>>, %arg15: memref<!tpu.dma_semaphore, #tpu.memory_space<semaphore_mem>>) attributes {dimension_semantics = [#tpu.dimension_semantics<core_parallel>, #tpu.dimension_semantics<subcore_parallel>], iteration_bounds = array<i64: 2, 16>, scalar_prefetch = 0 : i64, scratch_operands = 10 : i64, tpu.core_type = #tpu.core_type<sc_vector_subcore>, window_params = [{transform_indices = #map}, {transform_indices = #map}, {transform_indices = #map}, {transform_indices = #map}]} {
    %dma_start3A = arith.constant 0 : i32
    %dma_start3A_0 = arith.constant 0 : i32
    %dma_start3A_1 = arith.constant 0 : i32
    %dma_start3A_2 = tpu.memref_slice %arg4[%dma_start3A, %dma_start3A_0, %dma_start3A_1] : memref<157x3x2048xi32, #tpu.memory_space<hbm>> -> memref<1x3x2048xi32, #tpu.memory_space<hbm>>
    %dma_start3A_3 = tpu.memref_squeeze %dma_start3A_2 : memref<1x3x2048xi32, #tpu.memory_space<hbm>> -> memref<3x2048xi32, #tpu.memory_space<hbm>>
    %dma_start3A_4 = arith.constant 0 : i32
    %dma_start3A_5 = arith.constant 0 : i32
    %dma_start3A_6 = tpu.memref_slice %arg4[%dma_start3A, %dma_start3A_4, %dma_start3A_5] : memref<157x3x2048xi32, #tpu.memory_space<hbm>> -> memref<1x3x2048xi32, #tpu.memory_space<hbm>>
    %dma_start3A_7 = tpu.memref_squeeze %dma_start3A_6 : memref<1x3x2048xi32, #tpu.memory_space<hbm>> -> memref<3x2048xi32, #tpu.memory_space<hbm>>
    tpu.enqueue_dma source(%dma_start3A_7 : memref<3x2048xi32, #tpu.memory_space<hbm>>) target(%arg12 : memref<3x2048xi32, #tpu.memory_space<vmem>>) target_semaphore(%arg14 : memref<!tpu.dma_semaphore, #tpu.memory_space<semaphore_mem>>)
    "tpu.region"() ({
      %run_scoped3A = tpu.sem_alloc : memref<!tpu.dma_semaphore, #tpu.memory_space<semaphore_mem>>
      %dma_start3A_19 = arith.constant 0 : i32
      %dma_start3A_20 = tpu.memref_slice %arg2[%arg0, %arg1, %dma_start3A_19] : memref<2x16x40448xf32, #tpu.memory_space<hbm>> -> memref<1x1x40448xf32, #tpu.memory_space<hbm>>
      %dma_start3A_21 = tpu.memref_squeeze %dma_start3A_20 : memref<1x1x40448xf32, #tpu.memory_space<hbm>> -> memref<40448xf32, #tpu.memory_space<hbm>>
      %dma_start3A_22 = arith.constant 0 : i32
      %dma_start3A_23 = tpu.memref_slice %arg2[%arg0, %arg1, %dma_start3A_22] : memref<2x16x40448xf32, #tpu.memory_space<hbm>> -> memref<1x1x40448xf32, #tpu.memory_space<hbm>>
      %dma_start3A_24 = tpu.memref_squeeze %dma_start3A_23 : memref<1x1x40448xf32, #tpu.memory_space<hbm>> -> memref<40448xf32, #tpu.memory_space<hbm>>
      tpu.enqueue_dma source(%dma_start3A_24 : memref<40448xf32, #tpu.memory_space<hbm>>) target(%arg6 : memref<40448xf32, #tpu.memory_space<vmem>>) target_semaphore(%run_scoped3A : memref<!tpu.dma_semaphore, #tpu.memory_space<semaphore_mem>>)
      %dma_wait3A = arith.constant 0 : i32
      %dma_wait3A_25 = tpu.memref_slice %arg2[%arg0, %arg1, %dma_wait3A] : memref<2x16x40448xf32, #tpu.memory_space<hbm>> -> memref<1x1x40448xf32, #tpu.memory_space<hbm>>
      %dma_wait3A_26 = tpu.memref_squeeze %dma_wait3A_25 : memref<1x1x40448xf32, #tpu.memory_space<hbm>> -> memref<40448xf32, #tpu.memory_space<hbm>>
      %dma_wait3A_27 = arith.constant 0 : i32
      %dma_wait3A_28 = tpu.memref_slice %arg2[%arg0, %arg1, %dma_wait3A_27] : memref<2x16x40448xf32, #tpu.memory_space<hbm>> -> memref<1x1x40448xf32, #tpu.memory_space<hbm>>
      %dma_wait3A_29 = tpu.memref_squeeze %dma_wait3A_28 : memref<1x1x40448xf32, #tpu.memory_space<hbm>> -> memref<40448xf32, #tpu.memory_space<hbm>>
      tpu.wait_dma2 semaphore(%run_scoped3A : memref<!tpu.dma_semaphore, #tpu.memory_space<semaphore_mem>>) src(%dma_wait3A_29 : memref<40448xf32, #tpu.memory_space<hbm>>) dst(%arg6 : memref<40448xf32, #tpu.memory_space<vmem>>)
      tpu.yield
    }) : () -> ()
    "tpu.region"() ({
      %run_scoped3A = tpu.sem_alloc : memref<!tpu.dma_semaphore, #tpu.memory_space<semaphore_mem>>
      %dma_start3A_19 = arith.constant 0 : i32
      %dma_start3A_20 = tpu.memref_slice %arg3[%arg0, %arg1, %dma_start3A_19] : memref<2x16x256xf32, #tpu.memory_space<hbm>> -> memref<1x1x256xf32, #tpu.memory_space<hbm>>
      %dma_start3A_21 = tpu.memref_squeeze %dma_start3A_20 : memref<1x1x256xf32, #tpu.memory_space<hbm>> -> memref<256xf32, #tpu.memory_space<hbm>>
      %dma_start3A_22 = arith.constant 0 : i32
      %dma_start3A_23 = tpu.memref_slice %arg3[%arg0, %arg1, %dma_start3A_22] : memref<2x16x256xf32, #tpu.memory_space<hbm>> -> memref<1x1x256xf32, #tpu.memory_space<hbm>>
      %dma_start3A_24 = tpu.memref_squeeze %dma_start3A_23 : memref<1x1x256xf32, #tpu.memory_space<hbm>> -> memref<256xf32, #tpu.memory_space<hbm>>
      tpu.enqueue_dma source(%dma_start3A_24 : memref<256xf32, #tpu.memory_space<hbm>>) target(%arg11 : memref<256xf32, #tpu.memory_space<vmem>>) target_semaphore(%run_scoped3A : memref<!tpu.dma_semaphore, #tpu.memory_space<semaphore_mem>>)
      %dma_wait3A = arith.constant 0 : i32
      %dma_wait3A_25 = tpu.memref_slice %arg3[%arg0, %arg1, %dma_wait3A] : memref<2x16x256xf32, #tpu.memory_space<hbm>> -> memref<1x1x256xf32, #tpu.memory_space<hbm>>
      %dma_wait3A_26 = tpu.memref_squeeze %dma_wait3A_25 : memref<1x1x256xf32, #tpu.memory_space<hbm>> -> memref<256xf32, #tpu.memory_space<hbm>>
      %dma_wait3A_27 = arith.constant 0 : i32
      %dma_wait3A_28 = tpu.memref_slice %arg3[%arg0, %arg1, %dma_wait3A_27] : memref<2x16x256xf32, #tpu.memory_space<hbm>> -> memref<1x1x256xf32, #tpu.memory_space<hbm>>
      %dma_wait3A_29 = tpu.memref_squeeze %dma_wait3A_28 : memref<1x1x256xf32, #tpu.memory_space<hbm>> -> memref<256xf32, #tpu.memory_space<hbm>>
      tpu.wait_dma2 semaphore(%run_scoped3A : memref<!tpu.dma_semaphore, #tpu.memory_space<semaphore_mem>>) src(%dma_wait3A_29 : memref<256xf32, #tpu.memory_space<hbm>>) dst(%arg11 : memref<256xf32, #tpu.memory_space<vmem>>)
      tpu.yield
    }) : () -> ()
    %scan3A = arith.constant 0 : i32
    %scan3A_8 = arith.constant 0 : i32
    %scan3A_9 = arith.constant 632 : i32
    %scan3A_10 = arith.addi %scan3A_8, %scan3A_9 : i32
    %scan3A_11 = arith.constant 1 : i32
    scf.for %scan3A_19 = %scan3A_8 to %scan3A_10 step %scan3A_11  : i32 {
      %broadcast_in_dim3A = arith.constant 0.000000e+00 : f32
      %broadcast_in_dim3A_20 = vector.broadcast %broadcast_in_dim3A : f32 to vector<16xf32>
      %mul3A = arith.constant 16 : i32
      %mul3A_21 = arith.muli %scan3A_19, %mul3A : i32
      %swap3A = arith.index_cast %mul3A_21 : i32 to index
      %swap3A_22 = tpu.vector_load %arg7[%swap3A] {strides = array<i32>} : memref<10112xf32, #tpu.memory_space<vmem>>, vector<16xf32>,
      tpu.vector_store %arg7[%swap3A], %broadcast_in_dim3A_20 {strides = array<i32>} : memref<10112xf32, #tpu.memory_space<vmem>>, vector<16xf32>,
      %broadcast_in_dim3A_23 = arith.constant 0.000000e+00 : f32
      %broadcast_in_dim3A_24 = vector.broadcast %broadcast_in_dim3A_23 : f32 to vector<16xf32>
      %mul3A_25 = arith.constant 16 : i32
      %mul3A_26 = arith.muli %scan3A_19, %mul3A_25 : i32
      %swap3A_27 = arith.index_cast %mul3A_26 : i32 to index
      %swap3A_28 = tpu.vector_load %arg8[%swap3A_27] {strides = array<i32>} : memref<10112xf32, #tpu.memory_space<vmem>>, vector<16xf32>,
      tpu.vector_store %arg8[%swap3A_27], %broadcast_in_dim3A_24 {strides = array<i32>} : memref<10112xf32, #tpu.memory_space<vmem>>, vector<16xf32>,
      %broadcast_in_dim3A_29 = arith.constant 0.000000e+00 : f32
      %broadcast_in_dim3A_30 = vector.broadcast %broadcast_in_dim3A_29 : f32 to vector<16xf32>
      %mul3A_31 = arith.constant 16 : i32
      %mul3A_32 = arith.muli %scan3A_19, %mul3A_31 : i32
      %swap3A_33 = arith.index_cast %mul3A_32 : i32 to index
      %swap3A_34 = tpu.vector_load %arg9[%swap3A_33] {strides = array<i32>} : memref<10112xf32, #tpu.memory_space<vmem>>, vector<16xf32>,
      tpu.vector_store %arg9[%swap3A_33], %broadcast_in_dim3A_30 {strides = array<i32>} : memref<10112xf32, #tpu.memory_space<vmem>>, vector<16xf32>,
      %broadcast_in_dim3A_35 = arith.constant 0.000000e+00 : f32
      %broadcast_in_dim3A_36 = vector.broadcast %broadcast_in_dim3A_35 : f32 to vector<16xf32>
      %mul3A_37 = arith.constant 16 : i32
      %mul3A_38 = arith.muli %scan3A_19, %mul3A_37 : i32
      %swap3A_39 = arith.index_cast %mul3A_38 : i32 to index
      %swap3A_40 = tpu.vector_load %arg10[%swap3A_39] {strides = array<i32>} : memref<10112xf32, #tpu.memory_space<vmem>>, vector<16xf32>,
      tpu.vector_store %arg10[%swap3A_39], %broadcast_in_dim3A_36 {strides = array<i32>} : memref<10112xf32, #tpu.memory_space<vmem>>, vector<16xf32>,
    }
    %scan3A_12 = arith.constant 632 : i32
    %scan3A_13 = arith.constant 0 : i32
    %scan3A_14 = arith.constant 0 : i32
    %scan3A_15 = arith.constant 79 : i32
    %scan3A_16 = arith.addi %scan3A_14, %scan3A_15 : i32
    %scan3A_17 = arith.constant 1 : i32
    scf.for %scan3A_19 = %scan3A_14 to %scan3A_16 step %scan3A_17  : i32 {
      %mul3A = arith.constant 2 : i32
      %mul3A_20 = arith.muli %mul3A, %scan3A_19 : i32
      %add3A = arith.constant 0 : i32
      %add3A_21 = arith.addi %mul3A_20, %add3A : i32
      %lt3A = arith.constant 157 : i32
      %lt3A_22 = arith.cmpi slt, %add3A_21, %lt3A : i32
      %convert_element_type3A = arith.extui %lt3A_22 : i1 to i32
      %cond3A = arith.constant 0 : i32
      %cond3A_23 = arith.cmpi ne, %convert_element_type3A, %cond3A : i32
      scf.if %cond3A_23 {
        %dma_wait3A = arith.constant 0 : i32
        %dma_wait3A_33 = arith.constant 0 : i32
        %dma_wait3A_34 = tpu.memref_slice %arg4[%add3A_21, %dma_wait3A, %dma_wait3A_33] : memref<157x3x2048xi32, #tpu.memory_space<hbm>> -> memref<1x3x2048xi32, #tpu.memory_space<hbm>>
        %dma_wait3A_35 = tpu.memref_squeeze %dma_wait3A_34 : memref<1x3x2048xi32, #tpu.memory_space<hbm>> -> memref<3x2048xi32, #tpu.memory_space<hbm>>
        %dma_wait3A_36 = arith.constant 0 : i32
        %dma_wait3A_37 = arith.constant 0 : i32
        %dma_wait3A_38 = tpu.memref_slice %arg4[%add3A_21, %dma_wait3A_36, %dma_wait3A_37] : memref<157x3x2048xi32, #tpu.memory_space<hbm>> -> memref<1x3x2048xi32, #tpu.memory_space<hbm>>
        %dma_wait3A_39 = tpu.memref_squeeze %dma_wait3A_38 : memref<1x3x2048xi32, #tpu.memory_space<hbm>> -> memref<3x2048xi32, #tpu.memory_space<hbm>>
        tpu.wait_dma2 semaphore(%arg14 : memref<!tpu.dma_semaphore, #tpu.memory_space<semaphore_mem>>) src(%dma_wait3A_39 : memref<3x2048xi32, #tpu.memory_space<hbm>>) dst(%arg12 : memref<3x2048xi32, #tpu.memory_space<vmem>>)
        %add3A_40 = arith.constant 1 : i32
        %add3A_41 = arith.addi %add3A_21, %add3A_40 : i32
        %lt3A_42 = arith.constant 157 : i32
        %lt3A_43 = arith.cmpi slt, %add3A_41, %lt3A_42 : i32
        %convert_element_type3A_44 = arith.extui %lt3A_43 : i1 to i32
        %cond3A_45 = arith.constant 0 : i32
        %cond3A_46 = arith.cmpi ne, %convert_element_type3A_44, %cond3A_45 : i32
        scf.if %cond3A_46 {
          %add3A_53 = arith.constant 1 : i32
          %add3A_54 = arith.addi %add3A_21, %add3A_53 : i32
          %dma_start3A_55 = arith.constant 0 : i32
          %dma_start3A_56 = arith.constant 0 : i32
          %dma_start3A_57 = tpu.memref_slice %arg4[%add3A_54, %dma_start3A_55, %dma_start3A_56] : memref<157x3x2048xi32, #tpu.memory_space<hbm>> -> memref<1x3x2048xi32, #tpu.memory_space<hbm>>
          %dma_start3A_58 = tpu.memref_squeeze %dma_start3A_57 : memref<1x3x2048xi32, #tpu.memory_space<hbm>> -> memref<3x2048xi32, #tpu.memory_space<hbm>>
          %dma_start3A_59 = arith.constant 0 : i32
          %dma_start3A_60 = arith.constant 0 : i32
          %dma_start3A_61 = tpu.memref_slice %arg4[%add3A_54, %dma_start3A_59, %dma_start3A_60] : memref<157x3x2048xi32, #tpu.memory_space<hbm>> -> memref<1x3x2048xi32, #tpu.memory_space<hbm>>
          %dma_start3A_62 = tpu.memref_squeeze %dma_start3A_61 : memref<1x3x2048xi32, #tpu.memory_space<hbm>> -> memref<3x2048xi32, #tpu.memory_space<hbm>>
          tpu.enqueue_dma source(%dma_start3A_62 : memref<3x2048xi32, #tpu.memory_space<hbm>>) target(%arg13 : memref<3x2048xi32, #tpu.memory_space<vmem>>) target_semaphore(%arg15 : memref<!tpu.dma_semaphore, #tpu.memory_space<semaphore_mem>>)
        } else {
        }
        %scan3A_47 = arith.constant 0 : i32
        %scan3A_48 = arith.constant 0 : i32
        %scan3A_49 = arith.constant 128 : i32
        %scan3A_50 = arith.addi %scan3A_48, %scan3A_49 : i32
        %scan3A_51 = arith.constant 1 : i32
        scf.for %scan3A_53 = %scan3A_48 to %scan3A_50 step %scan3A_51  : i32 {
          %mul3A_54 = arith.constant 16 : i32
          %mul3A_55 = arith.muli %scan3A_53, %mul3A_54 : i32
          %get3A = arith.constant 0 : i32
          %get3A_56 = arith.index_cast %get3A : i32 to index
          %get3A_57 = arith.index_cast %mul3A_55 : i32 to index
          %get3A_58 = tpu.vector_load %arg12[%get3A_56, %get3A_57] {strides = array<i32>} : memref<3x2048xi32, #tpu.memory_space<vmem>>, vector<16xi32>,
          %get3A_59 = arith.constant 1 : i32
          %get3A_60 = arith.index_cast %get3A_59 : i32 to index
          %get3A_61 = arith.index_cast %mul3A_55 : i32 to index
          %get3A_62 = tpu.vector_load %arg12[%get3A_60, %get3A_61] {strides = array<i32>} : memref<3x2048xi32, #tpu.memory_space<vmem>>, vector<16xi32>,
          %get3A_63 = arith.constant 2 : i32
          %get3A_64 = arith.index_cast %get3A_63 : i32 to index
          %get3A_65 = arith.index_cast %mul3A_55 : i32 to index
          %get3A_66 = tpu.vector_load %arg12[%get3A_64, %get3A_65] {strides = array<i32>} : memref<3x2048xi32, #tpu.memory_space<vmem>>, vector<16xi32>,
          %add3A_67 = arith.constant 0 : i32
          %add3A_68 = vector.broadcast %add3A_67 : i32 to vector<16xi32>
          %add3A_69 = arith.addi %get3A_58, %add3A_68 : vector<16xi32>
          %gather3A = tpu.vector_load_idx %arg6[%add3A_69] : memref<40448xf32, #tpu.memory_space<vmem>>[vector<16xi32>], vector<16xf32>,
          %add3A_70 = arith.constant 0 : i32
          %add3A_71 = vector.broadcast %add3A_70 : i32 to vector<16xi32>
          %add3A_72 = arith.addi %get3A_66, %add3A_71 : vector<16xi32>
          %gather3A_73 = tpu.vector_load_idx %arg11[%add3A_72] : memref<256xf32, #tpu.memory_space<vmem>>[vector<16xi32>], vector<16xf32>,
          %add3A_74 = arith.addf %gather3A, %gather3A_73 : vector<16xf32>
          %max3A = arith.constant 0.000000e+00 : f32
          %max3A_75 = vector.broadcast %max3A : f32 to vector<16xf32>
          %max3A_76 = arith.maximumf %add3A_74, %max3A_75 : vector<16xf32>
          tpu.vector_store_idx %arg7[%get3A_62], %max3A_76 {add = true} : memref<10112xf32, #tpu.memory_space<vmem>>[vector<16xi32>], vector<16xf32>,
          %add3A_77 = arith.constant 10112 : i32
          %add3A_78 = vector.broadcast %add3A_77 : i32 to vector<16xi32>
          %add3A_79 = arith.addi %get3A_58, %add3A_78 : vector<16xi32>
          %gather3A_80 = tpu.vector_load_idx %arg6[%add3A_79] : memref<40448xf32, #tpu.memory_space<vmem>>[vector<16xi32>], vector<16xf32>,
          %add3A_81 = arith.constant 64 : i32
          %add3A_82 = vector.broadcast %add3A_81 : i32 to vector<16xi32>
          %add3A_83 = arith.addi %get3A_66, %add3A_82 : vector<16xi32>
          %gather3A_84 = tpu.vector_load_idx %arg11[%add3A_83] : memref<256xf32, #tpu.memory_space<vmem>>[vector<16xi32>], vector<16xf32>,
          %add3A_85 = arith.addf %gather3A_80, %gather3A_84 : vector<16xf32>
          %max3A_86 = arith.constant 0.000000e+00 : f32
          %max3A_87 = vector.broadcast %max3A_86 : f32 to vector<16xf32>
          %max3A_88 = arith.maximumf %add3A_85, %max3A_87 : vector<16xf32>
          tpu.vector_store_idx %arg8[%get3A_62], %max3A_88 {add = true} : memref<10112xf32, #tpu.memory_space<vmem>>[vector<16xi32>], vector<16xf32>,
          %add3A_89 = arith.constant 20224 : i32
          %add3A_90 = vector.broadcast %add3A_89 : i32 to vector<16xi32>
          %add3A_91 = arith.addi %get3A_58, %add3A_90 : vector<16xi32>
          %gather3A_92 = tpu.vector_load_idx %arg6[%add3A_91] : memref<40448xf32, #tpu.memory_space<vmem>>[vector<16xi32>], vector<16xf32>,
          %add3A_93 = arith.constant 128 : i32
          %add3A_94 = vector.broadcast %add3A_93 : i32 to vector<16xi32>
          %add3A_95 = arith.addi %get3A_66, %add3A_94 : vector<16xi32>
          %gather3A_96 = tpu.vector_load_idx %arg11[%add3A_95] : memref<256xf32, #tpu.memory_space<vmem>>[vector<16xi32>], vector<16xf32>,
          %add3A_97 = arith.addf %gather3A_92, %gather3A_96 : vector<16xf32>
          %max3A_98 = arith.constant 0.000000e+00 : f32
          %max3A_99 = vector.broadcast %max3A_98 : f32 to vector<16xf32>
          %max3A_100 = arith.maximumf %add3A_97, %max3A_99 : vector<16xf32>
          tpu.vector_store_idx %arg9[%get3A_62], %max3A_100 {add = true} : memref<10112xf32, #tpu.memory_space<vmem>>[vector<16xi32>], vector<16xf32>,
          %add3A_101 = arith.constant 30336 : i32
          %add3A_102 = vector.broadcast %add3A_101 : i32 to vector<16xi32>
          %add3A_103 = arith.addi %get3A_58, %add3A_102 : vector<16xi32>
          %gather3A_104 = tpu.vector_load_idx %arg6[%add3A_103] : memref<40448xf32, #tpu.memory_space<vmem>>[vector<16xi32>], vector<16xf32>,
          %add3A_105 = arith.constant 192 : i32
          %add3A_106 = vector.broadcast %add3A_105 : i32 to vector<16xi32>
          %add3A_107 = arith.addi %get3A_66, %add3A_106 : vector<16xi32>
          %gather3A_108 = tpu.vector_load_idx %arg11[%add3A_107] : memref<256xf32, #tpu.memory_space<vmem>>[vector<16xi32>], vector<16xf32>,
          %add3A_109 = arith.addf %gather3A_104, %gather3A_108 : vector<16xf32>
          %max3A_110 = arith.constant 0.000000e+00 : f32
          %max3A_111 = vector.broadcast %max3A_110 : f32 to vector<16xf32>
          %max3A_112 = arith.maximumf %add3A_109, %max3A_111 : vector<16xf32>
          tpu.vector_store_idx %arg10[%get3A_62], %max3A_112 {add = true} : memref<10112xf32, #tpu.memory_space<vmem>>[vector<16xi32>], vector<16xf32>,
        }
        %scan3A_52 = arith.constant 128 : i32
      } else {
      }
      %mul3A_24 = arith.constant 2 : i32
      %mul3A_25 = arith.muli %mul3A_24, %scan3A_19 : i32
      %add3A_26 = arith.constant 1 : i32
      %add3A_27 = arith.addi %mul3A_25, %add3A_26 : i32
      %lt3A_28 = arith.constant 157 : i32
      %lt3A_29 = arith.cmpi slt, %add3A_27, %lt3A_28 : i32
      %convert_element_type3A_30 = arith.extui %lt3A_29 : i1 to i32
      %cond3A_31 = arith.constant 0 : i32
      %cond3A_32 = arith.cmpi ne, %convert_element_type3A_30, %cond3A_31 : i32
      scf.if %cond3A_32 {
        %dma_wait3A = arith.constant 0 : i32
        %dma_wait3A_33 = arith.constant 0 : i32
        %dma_wait3A_34 = tpu.memref_slice %arg4[%add3A_27, %dma_wait3A, %dma_wait3A_33] : memref<157x3x2048xi32, #tpu.memory_space<hbm>> -> memref<1x3x2048xi32, #tpu.memory_space<hbm>>
        %dma_wait3A_35 = tpu.memref_squeeze %dma_wait3A_34 : memref<1x3x2048xi32, #tpu.memory_space<hbm>> -> memref<3x2048xi32, #tpu.memory_space<hbm>>
        %dma_wait3A_36 = arith.constant 0 : i32
        %dma_wait3A_37 = arith.constant 0 : i32
        %dma_wait3A_38 = tpu.memref_slice %arg4[%add3A_27, %dma_wait3A_36, %dma_wait3A_37] : memref<157x3x2048xi32, #tpu.memory_space<hbm>> -> memref<1x3x2048xi32, #tpu.memory_space<hbm>>
        %dma_wait3A_39 = tpu.memref_squeeze %dma_wait3A_38 : memref<1x3x2048xi32, #tpu.memory_space<hbm>> -> memref<3x2048xi32, #tpu.memory_space<hbm>>
        tpu.wait_dma2 semaphore(%arg15 : memref<!tpu.dma_semaphore, #tpu.memory_space<semaphore_mem>>) src(%dma_wait3A_39 : memref<3x2048xi32, #tpu.memory_space<hbm>>) dst(%arg13 : memref<3x2048xi32, #tpu.memory_space<vmem>>)
        %add3A_40 = arith.constant 1 : i32
        %add3A_41 = arith.addi %add3A_27, %add3A_40 : i32
        %lt3A_42 = arith.constant 157 : i32
        %lt3A_43 = arith.cmpi slt, %add3A_41, %lt3A_42 : i32
        %convert_element_type3A_44 = arith.extui %lt3A_43 : i1 to i32
        %cond3A_45 = arith.constant 0 : i32
        %cond3A_46 = arith.cmpi ne, %convert_element_type3A_44, %cond3A_45 : i32
        scf.if %cond3A_46 {
          %add3A_53 = arith.constant 1 : i32
          %add3A_54 = arith.addi %add3A_27, %add3A_53 : i32
          %dma_start3A_55 = arith.constant 0 : i32
          %dma_start3A_56 = arith.constant 0 : i32
          %dma_start3A_57 = tpu.memref_slice %arg4[%add3A_54, %dma_start3A_55, %dma_start3A_56] : memref<157x3x2048xi32, #tpu.memory_space<hbm>> -> memref<1x3x2048xi32, #tpu.memory_space<hbm>>
          %dma_start3A_58 = tpu.memref_squeeze %dma_start3A_57 : memref<1x3x2048xi32, #tpu.memory_space<hbm>> -> memref<3x2048xi32, #tpu.memory_space<hbm>>
          %dma_start3A_59 = arith.constant 0 : i32
          %dma_start3A_60 = arith.constant 0 : i32
          %dma_start3A_61 = tpu.memref_slice %arg4[%add3A_54, %dma_start3A_59, %dma_start3A_60] : memref<157x3x2048xi32, #tpu.memory_space<hbm>> -> memref<1x3x2048xi32, #tpu.memory_space<hbm>>
          %dma_start3A_62 = tpu.memref_squeeze %dma_start3A_61 : memref<1x3x2048xi32, #tpu.memory_space<hbm>> -> memref<3x2048xi32, #tpu.memory_space<hbm>>
          tpu.enqueue_dma source(%dma_start3A_62 : memref<3x2048xi32, #tpu.memory_space<hbm>>) target(%arg12 : memref<3x2048xi32, #tpu.memory_space<vmem>>) target_semaphore(%arg14 : memref<!tpu.dma_semaphore, #tpu.memory_space<semaphore_mem>>)
        } else {
        }
        %scan3A_47 = arith.constant 0 : i32
        %scan3A_48 = arith.constant 0 : i32
        %scan3A_49 = arith.constant 128 : i32
        %scan3A_50 = arith.addi %scan3A_48, %scan3A_49 : i32
        %scan3A_51 = arith.constant 1 : i32
        scf.for %scan3A_53 = %scan3A_48 to %scan3A_50 step %scan3A_51  : i32 {
          %mul3A_54 = arith.constant 16 : i32
          %mul3A_55 = arith.muli %scan3A_53, %mul3A_54 : i32
          %get3A = arith.constant 0 : i32
          %get3A_56 = arith.index_cast %get3A : i32 to index
          %get3A_57 = arith.index_cast %mul3A_55 : i32 to index
          %get3A_58 = tpu.vector_load %arg13[%get3A_56, %get3A_57] {strides = array<i32>} : memref<3x2048xi32, #tpu.memory_space<vmem>>, vector<16xi32>,
          %get3A_59 = arith.constant 1 : i32
          %get3A_60 = arith.index_cast %get3A_59 : i32 to index
          %get3A_61 = arith.index_cast %mul3A_55 : i32 to index
          %get3A_62 = tpu.vector_load %arg13[%get3A_60, %get3A_61] {strides = array<i32>} : memref<3x2048xi32, #tpu.memory_space<vmem>>, vector<16xi32>,
          %get3A_63 = arith.constant 2 : i32
          %get3A_64 = arith.index_cast %get3A_63 : i32 to index
          %get3A_65 = arith.index_cast %mul3A_55 : i32 to index
          %get3A_66 = tpu.vector_load %arg13[%get3A_64, %get3A_65] {strides = array<i32>} : memref<3x2048xi32, #tpu.memory_space<vmem>>, vector<16xi32>,
          %add3A_67 = arith.constant 0 : i32
          %add3A_68 = vector.broadcast %add3A_67 : i32 to vector<16xi32>
          %add3A_69 = arith.addi %get3A_58, %add3A_68 : vector<16xi32>
          %gather3A = tpu.vector_load_idx %arg6[%add3A_69] : memref<40448xf32, #tpu.memory_space<vmem>>[vector<16xi32>], vector<16xf32>,
          %add3A_70 = arith.constant 0 : i32
          %add3A_71 = vector.broadcast %add3A_70 : i32 to vector<16xi32>
          %add3A_72 = arith.addi %get3A_66, %add3A_71 : vector<16xi32>
          %gather3A_73 = tpu.vector_load_idx %arg11[%add3A_72] : memref<256xf32, #tpu.memory_space<vmem>>[vector<16xi32>], vector<16xf32>,
          %add3A_74 = arith.addf %gather3A, %gather3A_73 : vector<16xf32>
          %max3A = arith.constant 0.000000e+00 : f32
          %max3A_75 = vector.broadcast %max3A : f32 to vector<16xf32>
          %max3A_76 = arith.maximumf %add3A_74, %max3A_75 : vector<16xf32>
          tpu.vector_store_idx %arg7[%get3A_62], %max3A_76 {add = true} : memref<10112xf32, #tpu.memory_space<vmem>>[vector<16xi32>], vector<16xf32>,
          %add3A_77 = arith.constant 10112 : i32
          %add3A_78 = vector.broadcast %add3A_77 : i32 to vector<16xi32>
          %add3A_79 = arith.addi %get3A_58, %add3A_78 : vector<16xi32>
          %gather3A_80 = tpu.vector_load_idx %arg6[%add3A_79] : memref<40448xf32, #tpu.memory_space<vmem>>[vector<16xi32>], vector<16xf32>,
          %add3A_81 = arith.constant 64 : i32
          %add3A_82 = vector.broadcast %add3A_81 : i32 to vector<16xi32>
          %add3A_83 = arith.addi %get3A_66, %add3A_82 : vector<16xi32>
          %gather3A_84 = tpu.vector_load_idx %arg11[%add3A_83] : memref<256xf32, #tpu.memory_space<vmem>>[vector<16xi32>], vector<16xf32>,
          %add3A_85 = arith.addf %gather3A_80, %gather3A_84 : vector<16xf32>
          %max3A_86 = arith.constant 0.000000e+00 : f32
          %max3A_87 = vector.broadcast %max3A_86 : f32 to vector<16xf32>
          %max3A_88 = arith.maximumf %add3A_85, %max3A_87 : vector<16xf32>
          tpu.vector_store_idx %arg8[%get3A_62], %max3A_88 {add = true} : memref<10112xf32, #tpu.memory_space<vmem>>[vector<16xi32>], vector<16xf32>,
          %add3A_89 = arith.constant 20224 : i32
          %add3A_90 = vector.broadcast %add3A_89 : i32 to vector<16xi32>
          %add3A_91 = arith.addi %get3A_58, %add3A_90 : vector<16xi32>
          %gather3A_92 = tpu.vector_load_idx %arg6[%add3A_91] : memref<40448xf32, #tpu.memory_space<vmem>>[vector<16xi32>], vector<16xf32>,
          %add3A_93 = arith.constant 128 : i32
          %add3A_94 = vector.broadcast %add3A_93 : i32 to vector<16xi32>
          %add3A_95 = arith.addi %get3A_66, %add3A_94 : vector<16xi32>
          %gather3A_96 = tpu.vector_load_idx %arg11[%add3A_95] : memref<256xf32, #tpu.memory_space<vmem>>[vector<16xi32>], vector<16xf32>,
          %add3A_97 = arith.addf %gather3A_92, %gather3A_96 : vector<16xf32>
          %max3A_98 = arith.constant 0.000000e+00 : f32
          %max3A_99 = vector.broadcast %max3A_98 : f32 to vector<16xf32>
          %max3A_100 = arith.maximumf %add3A_97, %max3A_99 : vector<16xf32>
          tpu.vector_store_idx %arg9[%get3A_62], %max3A_100 {add = true} : memref<10112xf32, #tpu.memory_space<vmem>>[vector<16xi32>], vector<16xf32>,
          %add3A_101 = arith.constant 30336 : i32
          %add3A_102 = vector.broadcast %add3A_101 : i32 to vector<16xi32>
          %add3A_103 = arith.addi %get3A_58, %add3A_102 : vector<16xi32>
          %gather3A_104 = tpu.vector_load_idx %arg6[%add3A_103] : memref<40448xf32, #tpu.memory_space<vmem>>[vector<16xi32>], vector<16xf32>,
          %add3A_105 = arith.constant 192 : i32
          %add3A_106 = vector.broadcast %add3A_105 : i32 to vector<16xi32>
          %add3A_107 = arith.addi %get3A_66, %add3A_106 : vector<16xi32>
          %gather3A_108 = tpu.vector_load_idx %arg11[%add3A_107] : memref<256xf32, #tpu.memory_space<vmem>>[vector<16xi32>], vector<16xf32>,
          %add3A_109 = arith.addf %gather3A_104, %gather3A_108 : vector<16xf32>
          %max3A_110 = arith.constant 0.000000e+00 : f32
          %max3A_111 = vector.broadcast %max3A_110 : f32 to vector<16xf32>
          %max3A_112 = arith.maximumf %add3A_109, %max3A_111 : vector<16xf32>
          tpu.vector_store_idx %arg10[%get3A_62], %max3A_112 {add = true} : memref<10112xf32, #tpu.memory_space<vmem>>[vector<16xi32>], vector<16xf32>,
        }
        %scan3A_52 = arith.constant 128 : i32
      } else {
      }
    }
    %scan3A_18 = arith.constant 79 : i32
    "tpu.region"() ({
      %run_scoped3A = tpu.sem_alloc : memref<!tpu.dma_semaphore, #tpu.memory_space<semaphore_mem>>
      %dma_start3A_19 = arith.constant 0 : i32
      %dma_start3A_20 = tpu.memref_slice %arg5[%arg0, %arg1, %dma_start3A_19] : memref<2x16x40448xf32, #tpu.memory_space<hbm>> -> memref<1x1x10112xf32, #tpu.memory_space<hbm>>
      %dma_start3A_21 = tpu.memref_squeeze %dma_start3A_20 : memref<1x1x10112xf32, #tpu.memory_space<hbm>> -> memref<10112xf32, #tpu.memory_space<hbm>>
      %dma_start3A_22 = arith.constant 0 : i32
      %dma_start3A_23 = tpu.memref_slice %arg5[%arg0, %arg1, %dma_start3A_22] : memref<2x16x40448xf32, #tpu.memory_space<hbm>> -> memref<1x1x10112xf32, #tpu.memory_space<hbm>>
      %dma_start3A_24 = tpu.memref_squeeze %dma_start3A_23 : memref<1x1x10112xf32, #tpu.memory_space<hbm>> -> memref<10112xf32, #tpu.memory_space<hbm>>
      tpu.enqueue_dma source(%arg7 : memref<10112xf32, #tpu.memory_space<vmem>>) target(%dma_start3A_24 : memref<10112xf32, #tpu.memory_space<hbm>>) target_semaphore(%run_scoped3A : memref<!tpu.dma_semaphore, #tpu.memory_space<semaphore_mem>>)
      %dma_wait3A = arith.constant 0 : i32
      %dma_wait3A_25 = tpu.memref_slice %arg5[%arg0, %arg1, %dma_wait3A] : memref<2x16x40448xf32, #tpu.memory_space<hbm>> -> memref<1x1x10112xf32, #tpu.memory_space<hbm>>
      %dma_wait3A_26 = tpu.memref_squeeze %dma_wait3A_25 : memref<1x1x10112xf32, #tpu.memory_space<hbm>> -> memref<10112xf32, #tpu.memory_space<hbm>>
      %dma_wait3A_27 = arith.constant 0 : i32
      %dma_wait3A_28 = tpu.memref_slice %arg5[%arg0, %arg1, %dma_wait3A_27] : memref<2x16x40448xf32, #tpu.memory_space<hbm>> -> memref<1x1x10112xf32, #tpu.memory_space<hbm>>
      %dma_wait3A_29 = tpu.memref_squeeze %dma_wait3A_28 : memref<1x1x10112xf32, #tpu.memory_space<hbm>> -> memref<10112xf32, #tpu.memory_space<hbm>>
      tpu.wait_dma2 semaphore(%run_scoped3A : memref<!tpu.dma_semaphore, #tpu.memory_space<semaphore_mem>>) src(%arg7 : memref<10112xf32, #tpu.memory_space<vmem>>) dst(%dma_wait3A_29 : memref<10112xf32, #tpu.memory_space<hbm>>)
      tpu.yield
    }) : () -> ()
    "tpu.region"() ({
      %run_scoped3A = tpu.sem_alloc : memref<!tpu.dma_semaphore, #tpu.memory_space<semaphore_mem>>
      %dma_start3A_19 = arith.constant 10112 : i32
      %dma_start3A_20 = tpu.memref_slice %arg5[%arg0, %arg1, %dma_start3A_19] : memref<2x16x40448xf32, #tpu.memory_space<hbm>> -> memref<1x1x10112xf32, #tpu.memory_space<hbm>>
      %dma_start3A_21 = tpu.memref_squeeze %dma_start3A_20 : memref<1x1x10112xf32, #tpu.memory_space<hbm>> -> memref<10112xf32, #tpu.memory_space<hbm>>
      %dma_start3A_22 = arith.constant 10112 : i32
      %dma_start3A_23 = tpu.memref_slice %arg5[%arg0, %arg1, %dma_start3A_22] : memref<2x16x40448xf32, #tpu.memory_space<hbm>> -> memref<1x1x10112xf32, #tpu.memory_space<hbm>>
      %dma_start3A_24 = tpu.memref_squeeze %dma_start3A_23 : memref<1x1x10112xf32, #tpu.memory_space<hbm>> -> memref<10112xf32, #tpu.memory_space<hbm>>
      tpu.enqueue_dma source(%arg8 : memref<10112xf32, #tpu.memory_space<vmem>>) target(%dma_start3A_24 : memref<10112xf32, #tpu.memory_space<hbm>>) target_semaphore(%run_scoped3A : memref<!tpu.dma_semaphore, #tpu.memory_space<semaphore_mem>>)
      %dma_wait3A = arith.constant 10112 : i32
      %dma_wait3A_25 = tpu.memref_slice %arg5[%arg0, %arg1, %dma_wait3A] : memref<2x16x40448xf32, #tpu.memory_space<hbm>> -> memref<1x1x10112xf32, #tpu.memory_space<hbm>>
      %dma_wait3A_26 = tpu.memref_squeeze %dma_wait3A_25 : memref<1x1x10112xf32, #tpu.memory_space<hbm>> -> memref<10112xf32, #tpu.memory_space<hbm>>
      %dma_wait3A_27 = arith.constant 10112 : i32
      %dma_wait3A_28 = tpu.memref_slice %arg5[%arg0, %arg1, %dma_wait3A_27] : memref<2x16x40448xf32, #tpu.memory_space<hbm>> -> memref<1x1x10112xf32, #tpu.memory_space<hbm>>
      %dma_wait3A_29 = tpu.memref_squeeze %dma_wait3A_28 : memref<1x1x10112xf32, #tpu.memory_space<hbm>> -> memref<10112xf32, #tpu.memory_space<hbm>>
      tpu.wait_dma2 semaphore(%run_scoped3A : memref<!tpu.dma_semaphore, #tpu.memory_space<semaphore_mem>>) src(%arg8 : memref<10112xf32, #tpu.memory_space<vmem>>) dst(%dma_wait3A_29 : memref<10112xf32, #tpu.memory_space<hbm>>)
      tpu.yield
    }) : () -> ()
    "tpu.region"() ({
      %run_scoped3A = tpu.sem_alloc : memref<!tpu.dma_semaphore, #tpu.memory_space<semaphore_mem>>
      %dma_start3A_19 = arith.constant 20224 : i32
      %dma_start3A_20 = tpu.memref_slice %arg5[%arg0, %arg1, %dma_start3A_19] : memref<2x16x40448xf32, #tpu.memory_space<hbm>> -> memref<1x1x10112xf32, #tpu.memory_space<hbm>>
      %dma_start3A_21 = tpu.memref_squeeze %dma_start3A_20 : memref<1x1x10112xf32, #tpu.memory_space<hbm>> -> memref<10112xf32, #tpu.memory_space<hbm>>
      %dma_start3A_22 = arith.constant 20224 : i32
      %dma_start3A_23 = tpu.memref_slice %arg5[%arg0, %arg1, %dma_start3A_22] : memref<2x16x40448xf32, #tpu.memory_space<hbm>> -> memref<1x1x10112xf32, #tpu.memory_space<hbm>>
      %dma_start3A_24 = tpu.memref_squeeze %dma_start3A_23 : memref<1x1x10112xf32, #tpu.memory_space<hbm>> -> memref<10112xf32, #tpu.memory_space<hbm>>
      tpu.enqueue_dma source(%arg9 : memref<10112xf32, #tpu.memory_space<vmem>>) target(%dma_start3A_24 : memref<10112xf32, #tpu.memory_space<hbm>>) target_semaphore(%run_scoped3A : memref<!tpu.dma_semaphore, #tpu.memory_space<semaphore_mem>>)
      %dma_wait3A = arith.constant 20224 : i32
      %dma_wait3A_25 = tpu.memref_slice %arg5[%arg0, %arg1, %dma_wait3A] : memref<2x16x40448xf32, #tpu.memory_space<hbm>> -> memref<1x1x10112xf32, #tpu.memory_space<hbm>>
      %dma_wait3A_26 = tpu.memref_squeeze %dma_wait3A_25 : memref<1x1x10112xf32, #tpu.memory_space<hbm>> -> memref<10112xf32, #tpu.memory_space<hbm>>
      %dma_wait3A_27 = arith.constant 20224 : i32
      %dma_wait3A_28 = tpu.memref_slice %arg5[%arg0, %arg1, %dma_wait3A_27] : memref<2x16x40448xf32, #tpu.memory_space<hbm>> -> memref<1x1x10112xf32, #tpu.memory_space<hbm>>
      %dma_wait3A_29 = tpu.memref_squeeze %dma_wait3A_28 : memref<1x1x10112xf32, #tpu.memory_space<hbm>> -> memref<10112xf32, #tpu.memory_space<hbm>>
      tpu.wait_dma2 semaphore(%run_scoped3A : memref<!tpu.dma_semaphore, #tpu.memory_space<semaphore_mem>>) src(%arg9 : memref<10112xf32, #tpu.memory_space<vmem>>) dst(%dma_wait3A_29 : memref<10112xf32, #tpu.memory_space<hbm>>)
      tpu.yield
    }) : () -> ()
    "tpu.region"() ({
      %run_scoped3A = tpu.sem_alloc : memref<!tpu.dma_semaphore, #tpu.memory_space<semaphore_mem>>
      %dma_start3A_19 = arith.constant 30336 : i32
      %dma_start3A_20 = tpu.memref_slice %arg5[%arg0, %arg1, %dma_start3A_19] : memref<2x16x40448xf32, #tpu.memory_space<hbm>> -> memref<1x1x10112xf32, #tpu.memory_space<hbm>>
      %dma_start3A_21 = tpu.memref_squeeze %dma_start3A_20 : memref<1x1x10112xf32, #tpu.memory_space<hbm>> -> memref<10112xf32, #tpu.memory_space<hbm>>
      %dma_start3A_22 = arith.constant 30336 : i32
      %dma_start3A_23 = tpu.memref_slice %arg5[%arg0, %arg1, %dma_start3A_22] : memref<2x16x40448xf32, #tpu.memory_space<hbm>> -> memref<1x1x10112xf32, #tpu.memory_space<hbm>>
      %dma_start3A_24 = tpu.memref_squeeze %dma_start3A_23 : memref<1x1x10112xf32, #tpu.memory_space<hbm>> -> memref<10112xf32, #tpu.memory_space<hbm>>
      tpu.enqueue_dma source(%arg10 : memref<10112xf32, #tpu.memory_space<vmem>>) target(%dma_start3A_24 : memref<10112xf32, #tpu.memory_space<hbm>>) target_semaphore(%run_scoped3A : memref<!tpu.dma_semaphore, #tpu.memory_space<semaphore_mem>>)
      %dma_wait3A = arith.constant 30336 : i32
      %dma_wait3A_25 = tpu.memref_slice %arg5[%arg0, %arg1, %dma_wait3A] : memref<2x16x40448xf32, #tpu.memory_space<hbm>> -> memref<1x1x10112xf32, #tpu.memory_space<hbm>>
      %dma_wait3A_26 = tpu.memref_squeeze %dma_wait3A_25 : memref<1x1x10112xf32, #tpu.memory_space<hbm>> -> memref<10112xf32, #tpu.memory_space<hbm>>
      %dma_wait3A_27 = arith.constant 30336 : i32
      %dma_wait3A_28 = tpu.memref_slice %arg5[%arg0, %arg1, %dma_wait3A_27] : memref<2x16x40448xf32, #tpu.memory_space<hbm>> -> memref<1x1x10112xf32, #tpu.memory_space<hbm>>
      %dma_wait3A_29 = tpu.memref_squeeze %dma_wait3A_28 : memref<1x1x10112xf32, #tpu.memory_space<hbm>> -> memref<10112xf32, #tpu.memory_space<hbm>>
      tpu.wait_dma2 semaphore(%run_scoped3A : memref<!tpu.dma_semaphore, #tpu.memory_space<semaphore_mem>>) src(%arg10 : memref<10112xf32, #tpu.memory_space<vmem>>) dst(%dma_wait3A_29 : memref<10112xf32, #tpu.memory_space<hbm>>)
      tpu.yield
    }) : () -> ()
    return
  }
}

#map = affine_map<(d0, d1) -> (0, 0, 0)>
module attributes {stable_mosaic.version = 14 : i64} {
  func.func @_sc_agg(%arg0: i32, %arg1: i32, %arg2: memref<2x16x40448xf32, #tpu.memory_space<hbm>>, %arg3: memref<2x16x256xf32, #tpu.memory_space<hbm>>, %arg4: memref<157x3x2048xi32, #tpu.memory_space<hbm>>, %arg5: memref<2x16x40448xf32, #tpu.memory_space<hbm>>, %arg6: memref<40448xf32, #tpu.memory_space<vmem>>, %arg7: memref<10112xf32, #tpu.memory_space<vmem>>, %arg8: memref<10112xf32, #tpu.memory_space<vmem>>, %arg9: memref<10112xf32, #tpu.memory_space<vmem>>, %arg10: memref<10112xf32, #tpu.memory_space<vmem>>, %arg11: memref<256xf32, #tpu.memory_space<vmem>>, %arg12: memref<3x2048xi32, #tpu.memory_space<vmem>>, %arg13: memref<3x2048xi32, #tpu.memory_space<vmem>>, %arg14: memref<!tpu.dma_semaphore, #tpu.memory_space<semaphore_mem>>, %arg15: memref<!tpu.dma_semaphore, #tpu.memory_space<semaphore_mem>>) attributes {dimension_semantics = [#tpu.dimension_semantics<core_parallel>, #tpu.dimension_semantics<subcore_parallel>], iteration_bounds = array<i64: 2, 16>, scalar_prefetch = 0 : i64, scratch_operands = 10 : i64, tpu.core_type = #tpu.core_type<sc_vector_subcore>, window_params = [{transform_indices = #map}, {transform_indices = #map}, {transform_indices = #map}, {transform_indices = #map}]} {
    %dma_start3A = arith.constant 0 : i32
    %dma_start3A_0 = arith.constant 0 : i32
    %dma_start3A_1 = arith.constant 0 : i32
    %dma_start3A_2 = tpu.memref_slice %arg4[%dma_start3A, %dma_start3A_0, %dma_start3A_1] : memref<157x3x2048xi32, #tpu.memory_space<hbm>> -> memref<1x3x2048xi32, #tpu.memory_space<hbm>>
    %dma_start3A_3 = tpu.memref_squeeze %dma_start3A_2 : memref<1x3x2048xi32, #tpu.memory_space<hbm>> -> memref<3x2048xi32, #tpu.memory_space<hbm>>
    %dma_start3A_4 = arith.constant 0 : i32
    %dma_start3A_5 = arith.constant 0 : i32
    %dma_start3A_6 = tpu.memref_slice %arg4[%dma_start3A, %dma_start3A_4, %dma_start3A_5] : memref<157x3x2048xi32, #tpu.memory_space<hbm>> -> memref<1x3x2048xi32, #tpu.memory_space<hbm>>
    %dma_start3A_7 = tpu.memref_squeeze %dma_start3A_6 : memref<1x3x2048xi32, #tpu.memory_space<hbm>> -> memref<3x2048xi32, #tpu.memory_space<hbm>>
    tpu.enqueue_dma source(%dma_start3A_7 : memref<3x2048xi32, #tpu.memory_space<hbm>>) target(%arg12 : memref<3x2048xi32, #tpu.memory_space<vmem>>) target_semaphore(%arg14 : memref<!tpu.dma_semaphore, #tpu.memory_space<semaphore_mem>>)
    "tpu.region"() ({
      %run_scoped3A = tpu.sem_alloc : memref<!tpu.dma_semaphore, #tpu.memory_space<semaphore_mem>>
      %dma_start3A_19 = arith.constant 0 : i32
      %dma_start3A_20 = tpu.memref_slice %arg2[%arg0, %arg1, %dma_start3A_19] : memref<2x16x40448xf32, #tpu.memory_space<hbm>> -> memref<1x1x40448xf32, #tpu.memory_space<hbm>>
      %dma_start3A_21 = tpu.memref_squeeze %dma_start3A_20 : memref<1x1x40448xf32, #tpu.memory_space<hbm>> -> memref<40448xf32, #tpu.memory_space<hbm>>
      %dma_start3A_22 = arith.constant 0 : i32
      %dma_start3A_23 = tpu.memref_slice %arg2[%arg0, %arg1, %dma_start3A_22] : memref<2x16x40448xf32, #tpu.memory_space<hbm>> -> memref<1x1x40448xf32, #tpu.memory_space<hbm>>
      %dma_start3A_24 = tpu.memref_squeeze %dma_start3A_23 : memref<1x1x40448xf32, #tpu.memory_space<hbm>> -> memref<40448xf32, #tpu.memory_space<hbm>>
      tpu.enqueue_dma source(%dma_start3A_24 : memref<40448xf32, #tpu.memory_space<hbm>>) target(%arg6 : memref<40448xf32, #tpu.memory_space<vmem>>) target_semaphore(%run_scoped3A : memref<!tpu.dma_semaphore, #tpu.memory_space<semaphore_mem>>)
      %dma_wait3A = arith.constant 0 : i32
      %dma_wait3A_25 = tpu.memref_slice %arg2[%arg0, %arg1, %dma_wait3A] : memref<2x16x40448xf32, #tpu.memory_space<hbm>> -> memref<1x1x40448xf32, #tpu.memory_space<hbm>>
      %dma_wait3A_26 = tpu.memref_squeeze %dma_wait3A_25 : memref<1x1x40448xf32, #tpu.memory_space<hbm>> -> memref<40448xf32, #tpu.memory_space<hbm>>
      %dma_wait3A_27 = arith.constant 0 : i32
      %dma_wait3A_28 = tpu.memref_slice %arg2[%arg0, %arg1, %dma_wait3A_27] : memref<2x16x40448xf32, #tpu.memory_space<hbm>> -> memref<1x1x40448xf32, #tpu.memory_space<hbm>>
      %dma_wait3A_29 = tpu.memref_squeeze %dma_wait3A_28 : memref<1x1x40448xf32, #tpu.memory_space<hbm>> -> memref<40448xf32, #tpu.memory_space<hbm>>
      tpu.wait_dma2 semaphore(%run_scoped3A : memref<!tpu.dma_semaphore, #tpu.memory_space<semaphore_mem>>) src(%dma_wait3A_29 : memref<40448xf32, #tpu.memory_space<hbm>>) dst(%arg6 : memref<40448xf32, #tpu.memory_space<vmem>>)
      tpu.yield
    }) : () -> ()
    "tpu.region"() ({
      %run_scoped3A = tpu.sem_alloc : memref<!tpu.dma_semaphore, #tpu.memory_space<semaphore_mem>>
      %dma_start3A_19 = arith.constant 0 : i32
      %dma_start3A_20 = tpu.memref_slice %arg3[%arg0, %arg1, %dma_start3A_19] : memref<2x16x256xf32, #tpu.memory_space<hbm>> -> memref<1x1x256xf32, #tpu.memory_space<hbm>>
      %dma_start3A_21 = tpu.memref_squeeze %dma_start3A_20 : memref<1x1x256xf32, #tpu.memory_space<hbm>> -> memref<256xf32, #tpu.memory_space<hbm>>
      %dma_start3A_22 = arith.constant 0 : i32
      %dma_start3A_23 = tpu.memref_slice %arg3[%arg0, %arg1, %dma_start3A_22] : memref<2x16x256xf32, #tpu.memory_space<hbm>> -> memref<1x1x256xf32, #tpu.memory_space<hbm>>
      %dma_start3A_24 = tpu.memref_squeeze %dma_start3A_23 : memref<1x1x256xf32, #tpu.memory_space<hbm>> -> memref<256xf32, #tpu.memory_space<hbm>>
      tpu.enqueue_dma source(%dma_start3A_24 : memref<256xf32, #tpu.memory_space<hbm>>) target(%arg11 : memref<256xf32, #tpu.memory_space<vmem>>) target_semaphore(%run_scoped3A : memref<!tpu.dma_semaphore, #tpu.memory_space<semaphore_mem>>)
      %dma_wait3A = arith.constant 0 : i32
      %dma_wait3A_25 = tpu.memref_slice %arg3[%arg0, %arg1, %dma_wait3A] : memref<2x16x256xf32, #tpu.memory_space<hbm>> -> memref<1x1x256xf32, #tpu.memory_space<hbm>>
      %dma_wait3A_26 = tpu.memref_squeeze %dma_wait3A_25 : memref<1x1x256xf32, #tpu.memory_space<hbm>> -> memref<256xf32, #tpu.memory_space<hbm>>
      %dma_wait3A_27 = arith.constant 0 : i32
      %dma_wait3A_28 = tpu.memref_slice %arg3[%arg0, %arg1, %dma_wait3A_27] : memref<2x16x256xf32, #tpu.memory_space<hbm>> -> memref<1x1x256xf32, #tpu.memory_space<hbm>>
      %dma_wait3A_29 = tpu.memref_squeeze %dma_wait3A_28 : memref<1x1x256xf32, #tpu.memory_space<hbm>> -> memref<256xf32, #tpu.memory_space<hbm>>
      tpu.wait_dma2 semaphore(%run_scoped3A : memref<!tpu.dma_semaphore, #tpu.memory_space<semaphore_mem>>) src(%dma_wait3A_29 : memref<256xf32, #tpu.memory_space<hbm>>) dst(%arg11 : memref<256xf32, #tpu.memory_space<vmem>>)
      tpu.yield
    }) : () -> ()
    %scan3A = arith.constant 0 : i32
    %scan3A_8 = arith.constant 0 : i32
    %scan3A_9 = arith.constant 632 : i32
    %scan3A_10 = arith.addi %scan3A_8, %scan3A_9 : i32
    %scan3A_11 = arith.constant 1 : i32
    scf.for %scan3A_19 = %scan3A_8 to %scan3A_10 step %scan3A_11  : i32 {
      %broadcast_in_dim3A = arith.constant 0.000000e+00 : f32
      %broadcast_in_dim3A_20 = vector.broadcast %broadcast_in_dim3A : f32 to vector<16xf32>
      %mul3A = arith.constant 16 : i32
      %mul3A_21 = arith.muli %scan3A_19, %mul3A : i32
      %swap3A = arith.index_cast %mul3A_21 : i32 to index
      %swap3A_22 = tpu.vector_load %arg7[%swap3A] {strides = array<i32>} : memref<10112xf32, #tpu.memory_space<vmem>>, vector<16xf32>,
      tpu.vector_store %arg7[%swap3A], %broadcast_in_dim3A_20 {strides = array<i32>} : memref<10112xf32, #tpu.memory_space<vmem>>, vector<16xf32>,
      %broadcast_in_dim3A_23 = arith.constant 0.000000e+00 : f32
      %broadcast_in_dim3A_24 = vector.broadcast %broadcast_in_dim3A_23 : f32 to vector<16xf32>
      %mul3A_25 = arith.constant 16 : i32
      %mul3A_26 = arith.muli %scan3A_19, %mul3A_25 : i32
      %swap3A_27 = arith.index_cast %mul3A_26 : i32 to index
      %swap3A_28 = tpu.vector_load %arg8[%swap3A_27] {strides = array<i32>} : memref<10112xf32, #tpu.memory_space<vmem>>, vector<16xf32>,
      tpu.vector_store %arg8[%swap3A_27], %broadcast_in_dim3A_24 {strides = array<i32>} : memref<10112xf32, #tpu.memory_space<vmem>>, vector<16xf32>,
      %broadcast_in_dim3A_29 = arith.constant 0.000000e+00 : f32
      %broadcast_in_dim3A_30 = vector.broadcast %broadcast_in_dim3A_29 : f32 to vector<16xf32>
      %mul3A_31 = arith.constant 16 : i32
      %mul3A_32 = arith.muli %scan3A_19, %mul3A_31 : i32
      %swap3A_33 = arith.index_cast %mul3A_32 : i32 to index
      %swap3A_34 = tpu.vector_load %arg9[%swap3A_33] {strides = array<i32>} : memref<10112xf32, #tpu.memory_space<vmem>>, vector<16xf32>,
      tpu.vector_store %arg9[%swap3A_33], %broadcast_in_dim3A_30 {strides = array<i32>} : memref<10112xf32, #tpu.memory_space<vmem>>, vector<16xf32>,
      %broadcast_in_dim3A_35 = arith.constant 0.000000e+00 : f32
      %broadcast_in_dim3A_36 = vector.broadcast %broadcast_in_dim3A_35 : f32 to vector<16xf32>
      %mul3A_37 = arith.constant 16 : i32
      %mul3A_38 = arith.muli %scan3A_19, %mul3A_37 : i32
      %swap3A_39 = arith.index_cast %mul3A_38 : i32 to index
      %swap3A_40 = tpu.vector_load %arg10[%swap3A_39] {strides = array<i32>} : memref<10112xf32, #tpu.memory_space<vmem>>, vector<16xf32>,
      tpu.vector_store %arg10[%swap3A_39], %broadcast_in_dim3A_36 {strides = array<i32>} : memref<10112xf32, #tpu.memory_space<vmem>>, vector<16xf32>,
    }
    %scan3A_12 = arith.constant 632 : i32
    %scan3A_13 = arith.constant 0 : i32
    %scan3A_14 = arith.constant 0 : i32
    %scan3A_15 = arith.constant 79 : i32
    %scan3A_16 = arith.addi %scan3A_14, %scan3A_15 : i32
    %scan3A_17 = arith.constant 1 : i32
    scf.for %scan3A_19 = %scan3A_14 to %scan3A_16 step %scan3A_17  : i32 {
      %mul3A = arith.constant 2 : i32
      %mul3A_20 = arith.muli %mul3A, %scan3A_19 : i32
      %add3A = arith.constant 0 : i32
      %add3A_21 = arith.addi %mul3A_20, %add3A : i32
      %lt3A = arith.constant 157 : i32
      %lt3A_22 = arith.cmpi slt, %add3A_21, %lt3A : i32
      %convert_element_type3A = arith.extui %lt3A_22 : i1 to i32
      %cond3A = arith.constant 0 : i32
      %cond3A_23 = arith.cmpi ne, %convert_element_type3A, %cond3A : i32
      scf.if %cond3A_23 {
        %dma_wait3A = arith.constant 0 : i32
        %dma_wait3A_33 = arith.constant 0 : i32
        %dma_wait3A_34 = tpu.memref_slice %arg4[%add3A_21, %dma_wait3A, %dma_wait3A_33] : memref<157x3x2048xi32, #tpu.memory_space<hbm>> -> memref<1x3x2048xi32, #tpu.memory_space<hbm>>
        %dma_wait3A_35 = tpu.memref_squeeze %dma_wait3A_34 : memref<1x3x2048xi32, #tpu.memory_space<hbm>> -> memref<3x2048xi32, #tpu.memory_space<hbm>>
        %dma_wait3A_36 = arith.constant 0 : i32
        %dma_wait3A_37 = arith.constant 0 : i32
        %dma_wait3A_38 = tpu.memref_slice %arg4[%add3A_21, %dma_wait3A_36, %dma_wait3A_37] : memref<157x3x2048xi32, #tpu.memory_space<hbm>> -> memref<1x3x2048xi32, #tpu.memory_space<hbm>>
        %dma_wait3A_39 = tpu.memref_squeeze %dma_wait3A_38 : memref<1x3x2048xi32, #tpu.memory_space<hbm>> -> memref<3x2048xi32, #tpu.memory_space<hbm>>
        tpu.wait_dma2 semaphore(%arg14 : memref<!tpu.dma_semaphore, #tpu.memory_space<semaphore_mem>>) src(%dma_wait3A_39 : memref<3x2048xi32, #tpu.memory_space<hbm>>) dst(%arg12 : memref<3x2048xi32, #tpu.memory_space<vmem>>)
        %add3A_40 = arith.constant 1 : i32
        %add3A_41 = arith.addi %add3A_21, %add3A_40 : i32
        %lt3A_42 = arith.constant 157 : i32
        %lt3A_43 = arith.cmpi slt, %add3A_41, %lt3A_42 : i32
        %convert_element_type3A_44 = arith.extui %lt3A_43 : i1 to i32
        %cond3A_45 = arith.constant 0 : i32
        %cond3A_46 = arith.cmpi ne, %convert_element_type3A_44, %cond3A_45 : i32
        scf.if %cond3A_46 {
          %add3A_53 = arith.constant 1 : i32
          %add3A_54 = arith.addi %add3A_21, %add3A_53 : i32
          %dma_start3A_55 = arith.constant 0 : i32
          %dma_start3A_56 = arith.constant 0 : i32
          %dma_start3A_57 = tpu.memref_slice %arg4[%add3A_54, %dma_start3A_55, %dma_start3A_56] : memref<157x3x2048xi32, #tpu.memory_space<hbm>> -> memref<1x3x2048xi32, #tpu.memory_space<hbm>>
          %dma_start3A_58 = tpu.memref_squeeze %dma_start3A_57 : memref<1x3x2048xi32, #tpu.memory_space<hbm>> -> memref<3x2048xi32, #tpu.memory_space<hbm>>
          %dma_start3A_59 = arith.constant 0 : i32
          %dma_start3A_60 = arith.constant 0 : i32
          %dma_start3A_61 = tpu.memref_slice %arg4[%add3A_54, %dma_start3A_59, %dma_start3A_60] : memref<157x3x2048xi32, #tpu.memory_space<hbm>> -> memref<1x3x2048xi32, #tpu.memory_space<hbm>>
          %dma_start3A_62 = tpu.memref_squeeze %dma_start3A_61 : memref<1x3x2048xi32, #tpu.memory_space<hbm>> -> memref<3x2048xi32, #tpu.memory_space<hbm>>
          tpu.enqueue_dma source(%dma_start3A_62 : memref<3x2048xi32, #tpu.memory_space<hbm>>) target(%arg13 : memref<3x2048xi32, #tpu.memory_space<vmem>>) target_semaphore(%arg15 : memref<!tpu.dma_semaphore, #tpu.memory_space<semaphore_mem>>)
        } else {
        }
        %scan3A_47 = arith.constant 0 : i32
        %scan3A_48 = arith.constant 0 : i32
        %scan3A_49 = arith.constant 128 : i32
        %scan3A_50 = arith.addi %scan3A_48, %scan3A_49 : i32
        %scan3A_51 = arith.constant 1 : i32
        scf.for %scan3A_53 = %scan3A_48 to %scan3A_50 step %scan3A_51  : i32 {
          %mul3A_54 = arith.constant 16 : i32
          %mul3A_55 = arith.muli %scan3A_53, %mul3A_54 : i32
          %get3A = arith.constant 0 : i32
          %get3A_56 = arith.index_cast %get3A : i32 to index
          %get3A_57 = arith.index_cast %mul3A_55 : i32 to index
          %get3A_58 = tpu.vector_load %arg12[%get3A_56, %get3A_57] {strides = array<i32>} : memref<3x2048xi32, #tpu.memory_space<vmem>>, vector<16xi32>,
          %get3A_59 = arith.constant 1 : i32
          %get3A_60 = arith.index_cast %get3A_59 : i32 to index
          %get3A_61 = arith.index_cast %mul3A_55 : i32 to index
          %get3A_62 = tpu.vector_load %arg12[%get3A_60, %get3A_61] {strides = array<i32>} : memref<3x2048xi32, #tpu.memory_space<vmem>>, vector<16xi32>,
          %get3A_63 = arith.constant 2 : i32
          %get3A_64 = arith.index_cast %get3A_63 : i32 to index
          %get3A_65 = arith.index_cast %mul3A_55 : i32 to index
          %get3A_66 = tpu.vector_load %arg12[%get3A_64, %get3A_65] {strides = array<i32>} : memref<3x2048xi32, #tpu.memory_space<vmem>>, vector<16xi32>,
          %add3A_67 = arith.constant 0 : i32
          %add3A_68 = vector.broadcast %add3A_67 : i32 to vector<16xi32>
          %add3A_69 = arith.addi %get3A_58, %add3A_68 : vector<16xi32>
          %gather3A = tpu.vector_load_idx %arg6[%add3A_69] : memref<40448xf32, #tpu.memory_space<vmem>>[vector<16xi32>], vector<16xf32>,
          %add3A_70 = arith.constant 0 : i32
          %add3A_71 = vector.broadcast %add3A_70 : i32 to vector<16xi32>
          %add3A_72 = arith.addi %get3A_66, %add3A_71 : vector<16xi32>
          %gather3A_73 = tpu.vector_load_idx %arg11[%add3A_72] : memref<256xf32, #tpu.memory_space<vmem>>[vector<16xi32>], vector<16xf32>,
          %add3A_74 = arith.addf %gather3A, %gather3A_73 : vector<16xf32>
          %max3A = arith.constant 0.000000e+00 : f32
          %max3A_75 = vector.broadcast %max3A : f32 to vector<16xf32>
          %max3A_76 = arith.maximumf %add3A_74, %max3A_75 : vector<16xf32>
          tpu.vector_store_idx %arg7[%get3A_62], %max3A_76 {add = true} : memref<10112xf32, #tpu.memory_space<vmem>>[vector<16xi32>], vector<16xf32>,
          %add3A_77 = arith.constant 10112 : i32
          %add3A_78 = vector.broadcast %add3A_77 : i32 to vector<16xi32>
          %add3A_79 = arith.addi %get3A_58, %add3A_78 : vector<16xi32>
          %gather3A_80 = tpu.vector_load_idx %arg6[%add3A_79] : memref<40448xf32, #tpu.memory_space<vmem>>[vector<16xi32>], vector<16xf32>,
          %add3A_81 = arith.constant 64 : i32
          %add3A_82 = vector.broadcast %add3A_81 : i32 to vector<16xi32>
          %add3A_83 = arith.addi %get3A_66, %add3A_82 : vector<16xi32>
          %gather3A_84 = tpu.vector_load_idx %arg11[%add3A_83] : memref<256xf32, #tpu.memory_space<vmem>>[vector<16xi32>], vector<16xf32>,
          %add3A_85 = arith.addf %gather3A_80, %gather3A_84 : vector<16xf32>
          %max3A_86 = arith.constant 0.000000e+00 : f32
          %max3A_87 = vector.broadcast %max3A_86 : f32 to vector<16xf32>
          %max3A_88 = arith.maximumf %add3A_85, %max3A_87 : vector<16xf32>
          tpu.vector_store_idx %arg8[%get3A_62], %max3A_88 {add = true} : memref<10112xf32, #tpu.memory_space<vmem>>[vector<16xi32>], vector<16xf32>,
          %add3A_89 = arith.constant 20224 : i32
          %add3A_90 = vector.broadcast %add3A_89 : i32 to vector<16xi32>
          %add3A_91 = arith.addi %get3A_58, %add3A_90 : vector<16xi32>
          %gather3A_92 = tpu.vector_load_idx %arg6[%add3A_91] : memref<40448xf32, #tpu.memory_space<vmem>>[vector<16xi32>], vector<16xf32>,
          %add3A_93 = arith.constant 128 : i32
          %add3A_94 = vector.broadcast %add3A_93 : i32 to vector<16xi32>
          %add3A_95 = arith.addi %get3A_66, %add3A_94 : vector<16xi32>
          %gather3A_96 = tpu.vector_load_idx %arg11[%add3A_95] : memref<256xf32, #tpu.memory_space<vmem>>[vector<16xi32>], vector<16xf32>,
          %add3A_97 = arith.addf %gather3A_92, %gather3A_96 : vector<16xf32>
          %max3A_98 = arith.constant 0.000000e+00 : f32
          %max3A_99 = vector.broadcast %max3A_98 : f32 to vector<16xf32>
          %max3A_100 = arith.maximumf %add3A_97, %max3A_99 : vector<16xf32>
          tpu.vector_store_idx %arg9[%get3A_62], %max3A_100 {add = true} : memref<10112xf32, #tpu.memory_space<vmem>>[vector<16xi32>], vector<16xf32>,
          %add3A_101 = arith.constant 30336 : i32
          %add3A_102 = vector.broadcast %add3A_101 : i32 to vector<16xi32>
          %add3A_103 = arith.addi %get3A_58, %add3A_102 : vector<16xi32>
          %gather3A_104 = tpu.vector_load_idx %arg6[%add3A_103] : memref<40448xf32, #tpu.memory_space<vmem>>[vector<16xi32>], vector<16xf32>,
          %add3A_105 = arith.constant 192 : i32
          %add3A_106 = vector.broadcast %add3A_105 : i32 to vector<16xi32>
          %add3A_107 = arith.addi %get3A_66, %add3A_106 : vector<16xi32>
          %gather3A_108 = tpu.vector_load_idx %arg11[%add3A_107] : memref<256xf32, #tpu.memory_space<vmem>>[vector<16xi32>], vector<16xf32>,
          %add3A_109 = arith.addf %gather3A_104, %gather3A_108 : vector<16xf32>
          %max3A_110 = arith.constant 0.000000e+00 : f32
          %max3A_111 = vector.broadcast %max3A_110 : f32 to vector<16xf32>
          %max3A_112 = arith.maximumf %add3A_109, %max3A_111 : vector<16xf32>
          tpu.vector_store_idx %arg10[%get3A_62], %max3A_112 {add = true} : memref<10112xf32, #tpu.memory_space<vmem>>[vector<16xi32>], vector<16xf32>,
        }
        %scan3A_52 = arith.constant 128 : i32
      } else {
      }
      %mul3A_24 = arith.constant 2 : i32
      %mul3A_25 = arith.muli %mul3A_24, %scan3A_19 : i32
      %add3A_26 = arith.constant 1 : i32
      %add3A_27 = arith.addi %mul3A_25, %add3A_26 : i32
      %lt3A_28 = arith.constant 157 : i32
      %lt3A_29 = arith.cmpi slt, %add3A_27, %lt3A_28 : i32
      %convert_element_type3A_30 = arith.extui %lt3A_29 : i1 to i32
      %cond3A_31 = arith.constant 0 : i32
      %cond3A_32 = arith.cmpi ne, %convert_element_type3A_30, %cond3A_31 : i32
      scf.if %cond3A_32 {
        %dma_wait3A = arith.constant 0 : i32
        %dma_wait3A_33 = arith.constant 0 : i32
        %dma_wait3A_34 = tpu.memref_slice %arg4[%add3A_27, %dma_wait3A, %dma_wait3A_33] : memref<157x3x2048xi32, #tpu.memory_space<hbm>> -> memref<1x3x2048xi32, #tpu.memory_space<hbm>>
        %dma_wait3A_35 = tpu.memref_squeeze %dma_wait3A_34 : memref<1x3x2048xi32, #tpu.memory_space<hbm>> -> memref<3x2048xi32, #tpu.memory_space<hbm>>
        %dma_wait3A_36 = arith.constant 0 : i32
        %dma_wait3A_37 = arith.constant 0 : i32
        %dma_wait3A_38 = tpu.memref_slice %arg4[%add3A_27, %dma_wait3A_36, %dma_wait3A_37] : memref<157x3x2048xi32, #tpu.memory_space<hbm>> -> memref<1x3x2048xi32, #tpu.memory_space<hbm>>
        %dma_wait3A_39 = tpu.memref_squeeze %dma_wait3A_38 : memref<1x3x2048xi32, #tpu.memory_space<hbm>> -> memref<3x2048xi32, #tpu.memory_space<hbm>>
        tpu.wait_dma2 semaphore(%arg15 : memref<!tpu.dma_semaphore, #tpu.memory_space<semaphore_mem>>) src(%dma_wait3A_39 : memref<3x2048xi32, #tpu.memory_space<hbm>>) dst(%arg13 : memref<3x2048xi32, #tpu.memory_space<vmem>>)
        %add3A_40 = arith.constant 1 : i32
        %add3A_41 = arith.addi %add3A_27, %add3A_40 : i32
        %lt3A_42 = arith.constant 157 : i32
        %lt3A_43 = arith.cmpi slt, %add3A_41, %lt3A_42 : i32
        %convert_element_type3A_44 = arith.extui %lt3A_43 : i1 to i32
        %cond3A_45 = arith.constant 0 : i32
        %cond3A_46 = arith.cmpi ne, %convert_element_type3A_44, %cond3A_45 : i32
        scf.if %cond3A_46 {
          %add3A_53 = arith.constant 1 : i32
          %add3A_54 = arith.addi %add3A_27, %add3A_53 : i32
          %dma_start3A_55 = arith.constant 0 : i32
          %dma_start3A_56 = arith.constant 0 : i32
          %dma_start3A_57 = tpu.memref_slice %arg4[%add3A_54, %dma_start3A_55, %dma_start3A_56] : memref<157x3x2048xi32, #tpu.memory_space<hbm>> -> memref<1x3x2048xi32, #tpu.memory_space<hbm>>
          %dma_start3A_58 = tpu.memref_squeeze %dma_start3A_57 : memref<1x3x2048xi32, #tpu.memory_space<hbm>> -> memref<3x2048xi32, #tpu.memory_space<hbm>>
          %dma_start3A_59 = arith.constant 0 : i32
          %dma_start3A_60 = arith.constant 0 : i32
          %dma_start3A_61 = tpu.memref_slice %arg4[%add3A_54, %dma_start3A_59, %dma_start3A_60] : memref<157x3x2048xi32, #tpu.memory_space<hbm>> -> memref<1x3x2048xi32, #tpu.memory_space<hbm>>
          %dma_start3A_62 = tpu.memref_squeeze %dma_start3A_61 : memref<1x3x2048xi32, #tpu.memory_space<hbm>> -> memref<3x2048xi32, #tpu.memory_space<hbm>>
          tpu.enqueue_dma source(%dma_start3A_62 : memref<3x2048xi32, #tpu.memory_space<hbm>>) target(%arg12 : memref<3x2048xi32, #tpu.memory_space<vmem>>) target_semaphore(%arg14 : memref<!tpu.dma_semaphore, #tpu.memory_space<semaphore_mem>>)
        } else {
        }
        %scan3A_47 = arith.constant 0 : i32
        %scan3A_48 = arith.constant 0 : i32
        %scan3A_49 = arith.constant 128 : i32
        %scan3A_50 = arith.addi %scan3A_48, %scan3A_49 : i32
        %scan3A_51 = arith.constant 1 : i32
        scf.for %scan3A_53 = %scan3A_48 to %scan3A_50 step %scan3A_51  : i32 {
          %mul3A_54 = arith.constant 16 : i32
          %mul3A_55 = arith.muli %scan3A_53, %mul3A_54 : i32
          %get3A = arith.constant 0 : i32
          %get3A_56 = arith.index_cast %get3A : i32 to index
          %get3A_57 = arith.index_cast %mul3A_55 : i32 to index
          %get3A_58 = tpu.vector_load %arg13[%get3A_56, %get3A_57] {strides = array<i32>} : memref<3x2048xi32, #tpu.memory_space<vmem>>, vector<16xi32>,
          %get3A_59 = arith.constant 1 : i32
          %get3A_60 = arith.index_cast %get3A_59 : i32 to index
          %get3A_61 = arith.index_cast %mul3A_55 : i32 to index
          %get3A_62 = tpu.vector_load %arg13[%get3A_60, %get3A_61] {strides = array<i32>} : memref<3x2048xi32, #tpu.memory_space<vmem>>, vector<16xi32>,
          %get3A_63 = arith.constant 2 : i32
          %get3A_64 = arith.index_cast %get3A_63 : i32 to index
          %get3A_65 = arith.index_cast %mul3A_55 : i32 to index
          %get3A_66 = tpu.vector_load %arg13[%get3A_64, %get3A_65] {strides = array<i32>} : memref<3x2048xi32, #tpu.memory_space<vmem>>, vector<16xi32>,
          %add3A_67 = arith.constant 0 : i32
          %add3A_68 = vector.broadcast %add3A_67 : i32 to vector<16xi32>
          %add3A_69 = arith.addi %get3A_58, %add3A_68 : vector<16xi32>
          %gather3A = tpu.vector_load_idx %arg6[%add3A_69] : memref<40448xf32, #tpu.memory_space<vmem>>[vector<16xi32>], vector<16xf32>,
          %add3A_70 = arith.constant 0 : i32
          %add3A_71 = vector.broadcast %add3A_70 : i32 to vector<16xi32>
          %add3A_72 = arith.addi %get3A_66, %add3A_71 : vector<16xi32>
          %gather3A_73 = tpu.vector_load_idx %arg11[%add3A_72] : memref<256xf32, #tpu.memory_space<vmem>>[vector<16xi32>], vector<16xf32>,
          %add3A_74 = arith.addf %gather3A, %gather3A_73 : vector<16xf32>
          %max3A = arith.constant 0.000000e+00 : f32
          %max3A_75 = vector.broadcast %max3A : f32 to vector<16xf32>
          %max3A_76 = arith.maximumf %add3A_74, %max3A_75 : vector<16xf32>
          tpu.vector_store_idx %arg7[%get3A_62], %max3A_76 {add = true} : memref<10112xf32, #tpu.memory_space<vmem>>[vector<16xi32>], vector<16xf32>,
          %add3A_77 = arith.constant 10112 : i32
          %add3A_78 = vector.broadcast %add3A_77 : i32 to vector<16xi32>
          %add3A_79 = arith.addi %get3A_58, %add3A_78 : vector<16xi32>
          %gather3A_80 = tpu.vector_load_idx %arg6[%add3A_79] : memref<40448xf32, #tpu.memory_space<vmem>>[vector<16xi32>], vector<16xf32>,
          %add3A_81 = arith.constant 64 : i32
          %add3A_82 = vector.broadcast %add3A_81 : i32 to vector<16xi32>
          %add3A_83 = arith.addi %get3A_66, %add3A_82 : vector<16xi32>
          %gather3A_84 = tpu.vector_load_idx %arg11[%add3A_83] : memref<256xf32, #tpu.memory_space<vmem>>[vector<16xi32>], vector<16xf32>,
          %add3A_85 = arith.addf %gather3A_80, %gather3A_84 : vector<16xf32>
          %max3A_86 = arith.constant 0.000000e+00 : f32
          %max3A_87 = vector.broadcast %max3A_86 : f32 to vector<16xf32>
          %max3A_88 = arith.maximumf %add3A_85, %max3A_87 : vector<16xf32>
          tpu.vector_store_idx %arg8[%get3A_62], %max3A_88 {add = true} : memref<10112xf32, #tpu.memory_space<vmem>>[vector<16xi32>], vector<16xf32>,
          %add3A_89 = arith.constant 20224 : i32
          %add3A_90 = vector.broadcast %add3A_89 : i32 to vector<16xi32>
          %add3A_91 = arith.addi %get3A_58, %add3A_90 : vector<16xi32>
          %gather3A_92 = tpu.vector_load_idx %arg6[%add3A_91] : memref<40448xf32, #tpu.memory_space<vmem>>[vector<16xi32>], vector<16xf32>,
          %add3A_93 = arith.constant 128 : i32
          %add3A_94 = vector.broadcast %add3A_93 : i32 to vector<16xi32>
          %add3A_95 = arith.addi %get3A_66, %add3A_94 : vector<16xi32>
          %gather3A_96 = tpu.vector_load_idx %arg11[%add3A_95] : memref<256xf32, #tpu.memory_space<vmem>>[vector<16xi32>], vector<16xf32>,
          %add3A_97 = arith.addf %gather3A_92, %gather3A_96 : vector<16xf32>
          %max3A_98 = arith.constant 0.000000e+00 : f32
          %max3A_99 = vector.broadcast %max3A_98 : f32 to vector<16xf32>
          %max3A_100 = arith.maximumf %add3A_97, %max3A_99 : vector<16xf32>
          tpu.vector_store_idx %arg9[%get3A_62], %max3A_100 {add = true} : memref<10112xf32, #tpu.memory_space<vmem>>[vector<16xi32>], vector<16xf32>,
          %add3A_101 = arith.constant 30336 : i32
          %add3A_102 = vector.broadcast %add3A_101 : i32 to vector<16xi32>
          %add3A_103 = arith.addi %get3A_58, %add3A_102 : vector<16xi32>
          %gather3A_104 = tpu.vector_load_idx %arg6[%add3A_103] : memref<40448xf32, #tpu.memory_space<vmem>>[vector<16xi32>], vector<16xf32>,
          %add3A_105 = arith.constant 192 : i32
          %add3A_106 = vector.broadcast %add3A_105 : i32 to vector<16xi32>
          %add3A_107 = arith.addi %get3A_66, %add3A_106 : vector<16xi32>
          %gather3A_108 = tpu.vector_load_idx %arg11[%add3A_107] : memref<256xf32, #tpu.memory_space<vmem>>[vector<16xi32>], vector<16xf32>,
          %add3A_109 = arith.addf %gather3A_104, %gather3A_108 : vector<16xf32>
          %max3A_110 = arith.constant 0.000000e+00 : f32
          %max3A_111 = vector.broadcast %max3A_110 : f32 to vector<16xf32>
          %max3A_112 = arith.maximumf %add3A_109, %max3A_111 : vector<16xf32>
          tpu.vector_store_idx %arg10[%get3A_62], %max3A_112 {add = true} : memref<10112xf32, #tpu.memory_space<vmem>>[vector<16xi32>], vector<16xf32>,
        }
        %scan3A_52 = arith.constant 128 : i32
      } else {
      }
    }
    %scan3A_18 = arith.constant 79 : i32
    "tpu.region"() ({
      %run_scoped3A = tpu.sem_alloc : memref<!tpu.dma_semaphore, #tpu.memory_space<semaphore_mem>>
      %dma_start3A_19 = arith.constant 0 : i32
      %dma_start3A_20 = tpu.memref_slice %arg5[%arg0, %arg1, %dma_start3A_19] : memref<2x16x40448xf32, #tpu.memory_space<hbm>> -> memref<1x1x10112xf32, #tpu.memory_space<hbm>>
      %dma_start3A_21 = tpu.memref_squeeze %dma_start3A_20 : memref<1x1x10112xf32, #tpu.memory_space<hbm>> -> memref<10112xf32, #tpu.memory_space<hbm>>
      %dma_start3A_22 = arith.constant 0 : i32
      %dma_start3A_23 = tpu.memref_slice %arg5[%arg0, %arg1, %dma_start3A_22] : memref<2x16x40448xf32, #tpu.memory_space<hbm>> -> memref<1x1x10112xf32, #tpu.memory_space<hbm>>
      %dma_start3A_24 = tpu.memref_squeeze %dma_start3A_23 : memref<1x1x10112xf32, #tpu.memory_space<hbm>> -> memref<10112xf32, #tpu.memory_space<hbm>>
      tpu.enqueue_dma source(%arg7 : memref<10112xf32, #tpu.memory_space<vmem>>) target(%dma_start3A_24 : memref<10112xf32, #tpu.memory_space<hbm>>) target_semaphore(%run_scoped3A : memref<!tpu.dma_semaphore, #tpu.memory_space<semaphore_mem>>)
      %dma_wait3A = arith.constant 0 : i32
      %dma_wait3A_25 = tpu.memref_slice %arg5[%arg0, %arg1, %dma_wait3A] : memref<2x16x40448xf32, #tpu.memory_space<hbm>> -> memref<1x1x10112xf32, #tpu.memory_space<hbm>>
      %dma_wait3A_26 = tpu.memref_squeeze %dma_wait3A_25 : memref<1x1x10112xf32, #tpu.memory_space<hbm>> -> memref<10112xf32, #tpu.memory_space<hbm>>
      %dma_wait3A_27 = arith.constant 0 : i32
      %dma_wait3A_28 = tpu.memref_slice %arg5[%arg0, %arg1, %dma_wait3A_27] : memref<2x16x40448xf32, #tpu.memory_space<hbm>> -> memref<1x1x10112xf32, #tpu.memory_space<hbm>>
      %dma_wait3A_29 = tpu.memref_squeeze %dma_wait3A_28 : memref<1x1x10112xf32, #tpu.memory_space<hbm>> -> memref<10112xf32, #tpu.memory_space<hbm>>
      tpu.wait_dma2 semaphore(%run_scoped3A : memref<!tpu.dma_semaphore, #tpu.memory_space<semaphore_mem>>) src(%arg7 : memref<10112xf32, #tpu.memory_space<vmem>>) dst(%dma_wait3A_29 : memref<10112xf32, #tpu.memory_space<hbm>>)
      tpu.yield
    }) : () -> ()
    "tpu.region"() ({
      %run_scoped3A = tpu.sem_alloc : memref<!tpu.dma_semaphore, #tpu.memory_space<semaphore_mem>>
      %dma_start3A_19 = arith.constant 10112 : i32
      %dma_start3A_20 = tpu.memref_slice %arg5[%arg0, %arg1, %dma_start3A_19] : memref<2x16x40448xf32, #tpu.memory_space<hbm>> -> memref<1x1x10112xf32, #tpu.memory_space<hbm>>
      %dma_start3A_21 = tpu.memref_squeeze %dma_start3A_20 : memref<1x1x10112xf32, #tpu.memory_space<hbm>> -> memref<10112xf32, #tpu.memory_space<hbm>>
      %dma_start3A_22 = arith.constant 10112 : i32
      %dma_start3A_23 = tpu.memref_slice %arg5[%arg0, %arg1, %dma_start3A_22] : memref<2x16x40448xf32, #tpu.memory_space<hbm>> -> memref<1x1x10112xf32, #tpu.memory_space<hbm>>
      %dma_start3A_24 = tpu.memref_squeeze %dma_start3A_23 : memref<1x1x10112xf32, #tpu.memory_space<hbm>> -> memref<10112xf32, #tpu.memory_space<hbm>>
      tpu.enqueue_dma source(%arg8 : memref<10112xf32, #tpu.memory_space<vmem>>) target(%dma_start3A_24 : memref<10112xf32, #tpu.memory_space<hbm>>) target_semaphore(%run_scoped3A : memref<!tpu.dma_semaphore, #tpu.memory_space<semaphore_mem>>)
      %dma_wait3A = arith.constant 10112 : i32
      %dma_wait3A_25 = tpu.memref_slice %arg5[%arg0, %arg1, %dma_wait3A] : memref<2x16x40448xf32, #tpu.memory_space<hbm>> -> memref<1x1x10112xf32, #tpu.memory_space<hbm>>
      %dma_wait3A_26 = tpu.memref_squeeze %dma_wait3A_25 : memref<1x1x10112xf32, #tpu.memory_space<hbm>> -> memref<10112xf32, #tpu.memory_space<hbm>>
      %dma_wait3A_27 = arith.constant 10112 : i32
      %dma_wait3A_28 = tpu.memref_slice %arg5[%arg0, %arg1, %dma_wait3A_27] : memref<2x16x40448xf32, #tpu.memory_space<hbm>> -> memref<1x1x10112xf32, #tpu.memory_space<hbm>>
      %dma_wait3A_29 = tpu.memref_squeeze %dma_wait3A_28 : memref<1x1x10112xf32, #tpu.memory_space<hbm>> -> memref<10112xf32, #tpu.memory_space<hbm>>
      tpu.wait_dma2 semaphore(%run_scoped3A : memref<!tpu.dma_semaphore, #tpu.memory_space<semaphore_mem>>) src(%arg8 : memref<10112xf32, #tpu.memory_space<vmem>>) dst(%dma_wait3A_29 : memref<10112xf32, #tpu.memory_space<hbm>>)
      tpu.yield
    }) : () -> ()
    "tpu.region"() ({
      %run_scoped3A = tpu.sem_alloc : memref<!tpu.dma_semaphore, #tpu.memory_space<semaphore_mem>>
      %dma_start3A_19 = arith.constant 20224 : i32
      %dma_start3A_20 = tpu.memref_slice %arg5[%arg0, %arg1, %dma_start3A_19] : memref<2x16x40448xf32, #tpu.memory_space<hbm>> -> memref<1x1x10112xf32, #tpu.memory_space<hbm>>
      %dma_start3A_21 = tpu.memref_squeeze %dma_start3A_20 : memref<1x1x10112xf32, #tpu.memory_space<hbm>> -> memref<10112xf32, #tpu.memory_space<hbm>>
      %dma_start3A_22 = arith.constant 20224 : i32
      %dma_start3A_23 = tpu.memref_slice %arg5[%arg0, %arg1, %dma_start3A_22] : memref<2x16x40448xf32, #tpu.memory_space<hbm>> -> memref<1x1x10112xf32, #tpu.memory_space<hbm>>
      %dma_start3A_24 = tpu.memref_squeeze %dma_start3A_23 : memref<1x1x10112xf32, #tpu.memory_space<hbm>> -> memref<10112xf32, #tpu.memory_space<hbm>>
      tpu.enqueue_dma source(%arg9 : memref<10112xf32, #tpu.memory_space<vmem>>) target(%dma_start3A_24 : memref<10112xf32, #tpu.memory_space<hbm>>) target_semaphore(%run_scoped3A : memref<!tpu.dma_semaphore, #tpu.memory_space<semaphore_mem>>)
      %dma_wait3A = arith.constant 20224 : i32
      %dma_wait3A_25 = tpu.memref_slice %arg5[%arg0, %arg1, %dma_wait3A] : memref<2x16x40448xf32, #tpu.memory_space<hbm>> -> memref<1x1x10112xf32, #tpu.memory_space<hbm>>
      %dma_wait3A_26 = tpu.memref_squeeze %dma_wait3A_25 : memref<1x1x10112xf32, #tpu.memory_space<hbm>> -> memref<10112xf32, #tpu.memory_space<hbm>>
      %dma_wait3A_27 = arith.constant 20224 : i32
      %dma_wait3A_28 = tpu.memref_slice %arg5[%arg0, %arg1, %dma_wait3A_27] : memref<2x16x40448xf32, #tpu.memory_space<hbm>> -> memref<1x1x10112xf32, #tpu.memory_space<hbm>>
      %dma_wait3A_29 = tpu.memref_squeeze %dma_wait3A_28 : memref<1x1x10112xf32, #tpu.memory_space<hbm>> -> memref<10112xf32, #tpu.memory_space<hbm>>
      tpu.wait_dma2 semaphore(%run_scoped3A : memref<!tpu.dma_semaphore, #tpu.memory_space<semaphore_mem>>) src(%arg9 : memref<10112xf32, #tpu.memory_space<vmem>>) dst(%dma_wait3A_29 : memref<10112xf32, #tpu.memory_space<hbm>>)
      tpu.yield
    }) : () -> ()
    "tpu.region"() ({
      %run_scoped3A = tpu.sem_alloc : memref<!tpu.dma_semaphore, #tpu.memory_space<semaphore_mem>>
      %dma_start3A_19 = arith.constant 30336 : i32
      %dma_start3A_20 = tpu.memref_slice %arg5[%arg0, %arg1, %dma_start3A_19] : memref<2x16x40448xf32, #tpu.memory_space<hbm>> -> memref<1x1x10112xf32, #tpu.memory_space<hbm>>
      %dma_start3A_21 = tpu.memref_squeeze %dma_start3A_20 : memref<1x1x10112xf32, #tpu.memory_space<hbm>> -> memref<10112xf32, #tpu.memory_space<hbm>>
      %dma_start3A_22 = arith.constant 30336 : i32
      %dma_start3A_23 = tpu.memref_slice %arg5[%arg0, %arg1, %dma_start3A_22] : memref<2x16x40448xf32, #tpu.memory_space<hbm>> -> memref<1x1x10112xf32, #tpu.memory_space<hbm>>
      %dma_start3A_24 = tpu.memref_squeeze %dma_start3A_23 : memref<1x1x10112xf32, #tpu.memory_space<hbm>> -> memref<10112xf32, #tpu.memory_space<hbm>>
      tpu.enqueue_dma source(%arg10 : memref<10112xf32, #tpu.memory_space<vmem>>) target(%dma_start3A_24 : memref<10112xf32, #tpu.memory_space<hbm>>) target_semaphore(%run_scoped3A : memref<!tpu.dma_semaphore, #tpu.memory_space<semaphore_mem>>)
      %dma_wait3A = arith.constant 30336 : i32
      %dma_wait3A_25 = tpu.memref_slice %arg5[%arg0, %arg1, %dma_wait3A] : memref<2x16x40448xf32, #tpu.memory_space<hbm>> -> memref<1x1x10112xf32, #tpu.memory_space<hbm>>
      %dma_wait3A_26 = tpu.memref_squeeze %dma_wait3A_25 : memref<1x1x10112xf32, #tpu.memory_space<hbm>> -> memref<10112xf32, #tpu.memory_space<hbm>>
      %dma_wait3A_27 = arith.constant 30336 : i32
      %dma_wait3A_28 = tpu.memref_slice %arg5[%arg0, %arg1, %dma_wait3A_27] : memref<2x16x40448xf32, #tpu.memory_space<hbm>> -> memref<1x1x10112xf32, #tpu.memory_space<hbm>>
      %dma_wait3A_29 = tpu.memref_squeeze %dma_wait3A_28 : memref<1x1x10112xf32, #tpu.memory_space<hbm>> -> memref<10112xf32, #tpu.memory_space<hbm>>
      tpu.wait_dma2 semaphore(%run_scoped3A : memref<!tpu.dma_semaphore, #tpu.memory_space<semaphore_mem>>) src(%arg10 : memref<10112xf32, #tpu.memory_space<vmem>>) dst(%dma_wait3A_29 : memref<10112xf32, #tpu.memory_space<hbm>>)
      tpu.yield
    }) : () -> ()
    return
  }
}

module attributes {stable_mosaic.version = 14 : i64} {
  func.func @_mlp_body(%arg0: memref<128x10112xf32, #tpu.memory_space<vmem>>, %arg1: memref<128x10112xf32, #tpu.memory_space<vmem>>, %arg2: memref<1x1xf32, #tpu.memory_space<vmem>>, %arg3: memref<256x128xf32, #tpu.memory_space<vmem>>, %arg4: memref<256x1xf32, #tpu.memory_space<vmem>>, %arg5: memref<256x1xf32, #tpu.memory_space<vmem>>, %arg6: memref<256x1xf32, #tpu.memory_space<vmem>>, %arg7: memref<128x256xf32, #tpu.memory_space<vmem>>, %arg8: memref<128x1xf32, #tpu.memory_space<vmem>>, %arg9: memref<128x1xf32, #tpu.memory_space<vmem>>, %arg10: memref<128x1xf32, #tpu.memory_space<vmem>>, %arg11: memref<128x10112xf32, #tpu.memory_space<vmem>>) attributes {dimension_semantics = [], scalar_prefetch = 0 : i64, scratch_operands = 0 : i64, tpu.core_type = #tpu.core_type<tc>} {
    %get3A = arith.constant 0 : index
    %get3A_0 = arith.constant 0 : index
    %get3A_1 = vector.load %arg2[%get3A, %get3A_0] : memref<1x1xf32, #tpu.memory_space<vmem>>, vector<1x1xf32>
    %get3A_2 = arith.constant 0 : index
    %get3A_3 = arith.constant 0 : index
    %get3A_4 = vector.load %arg0[%get3A_2, %get3A_3] : memref<128x10112xf32, #tpu.memory_space<vmem>>, vector<128x10112xf32>
    %mul3A = vector.broadcast %get3A_1 : vector<1x1xf32> to vector<128x10112xf32>
    %mul3A_5 = arith.mulf %mul3A, %get3A_4 : vector<128x10112xf32>
    %get3A_6 = arith.constant 0 : index
    %get3A_7 = arith.constant 0 : index
    %get3A_8 = vector.load %arg1[%get3A_6, %get3A_7] : memref<128x10112xf32, #tpu.memory_space<vmem>>, vector<128x10112xf32>
    %add3A = arith.addf %mul3A_5, %get3A_8 : vector<128x10112xf32>
    %get3A_9 = arith.constant 0 : index
    %get3A_10 = arith.constant 0 : index
    %get3A_11 = vector.load %arg3[%get3A_9, %get3A_10] : memref<256x128xf32, #tpu.memory_space<vmem>>, vector<256x128xf32>
    %dot_general3A = arith.constant dense<0.000000e+00> : vector<256x10112xf32>
    %dot_general3A_12 = tpu.matmul %get3A_11, %add3A, %dot_general3A {dimension_numbers = #tpu.dot_dimension_numbers<[1], [0], [0], [1], [0, 0, 1, 1], [], []>, transpose_lhs_hint = false} : vector<256x128xf32>, vector<128x10112xf32>, vector<256x10112xf32> -> vector<256x10112xf32>
    %get3A_13 = arith.constant 0 : index
    %get3A_14 = arith.constant 0 : index
    %get3A_15 = vector.load %arg4[%get3A_13, %get3A_14] : memref<256x1xf32, #tpu.memory_space<vmem>>, vector<256x1xf32>
    %add3A_16 = vector.broadcast %get3A_15 : vector<256x1xf32> to vector<256x10112xf32>
    %add3A_17 = arith.addf %dot_general3A_12, %add3A_16 : vector<256x10112xf32>
    %iota3A = tpu.iota {dimensions = array<i32: 1>} : vector<1x10112xi32>
    %lt3A = arith.constant 10000 : i32
    %lt3A_18 = vector.broadcast %lt3A : i32 to vector<1x10112xi32>
    %lt3A_19 = arith.cmpi slt, %iota3A, %lt3A_18 : vector<1x10112xi32>
    %jit3A = arith.constant 0.000000e+00 : f32
    %broadcast_in_dim3A = vector.shape_cast %lt3A_19 : vector<1x10112xi1> to vector<1x10112xi1>
    %broadcast_in_dim3A_20 = vector.broadcast %broadcast_in_dim3A : vector<1x10112xi1> to vector<256x10112xi1>
    %broadcast_in_dim3A_21 = vector.broadcast %jit3A : f32 to vector<256x10112xf32>
    %select_n3A = arith.select %broadcast_in_dim3A_20, %add3A_17, %broadcast_in_dim3A_21 : vector<256x10112xi1>, vector<256x10112xf32>
    %reduce_sum3A = arith.constant dense<0.000000e+00> : vector<256xf32>
    %reduce_sum3A_22 = vector.multi_reduction <add>, %select_n3A, %reduce_sum3A [1] : vector<256x10112xf32> to vector<256xf32>
    %broadcast_in_dim3A_23 = vector.shape_cast %reduce_sum3A_22 : vector<256xf32> to vector<256x1xf32>
    %mul3A_24 = arith.constant 9.99999974E-5 : f32
    %mul3A_25 = vector.broadcast %mul3A_24 : f32 to vector<256x1xf32>
    %mul3A_26 = arith.mulf %broadcast_in_dim3A_23, %mul3A_25 : vector<256x1xf32>
    %sub3A = vector.broadcast %mul3A_26 : vector<256x1xf32> to vector<256x10112xf32>
    %sub3A_27 = arith.subf %add3A_17, %sub3A : vector<256x10112xf32>
    %jit3A_28 = arith.constant 0.000000e+00 : f32
    %broadcast_in_dim3A_29 = vector.shape_cast %lt3A_19 : vector<1x10112xi1> to vector<1x10112xi1>
    %broadcast_in_dim3A_30 = vector.broadcast %broadcast_in_dim3A_29 : vector<1x10112xi1> to vector<256x10112xi1>
    %broadcast_in_dim3A_31 = vector.broadcast %jit3A_28 : f32 to vector<256x10112xf32>
    %select_n3A_32 = arith.select %broadcast_in_dim3A_30, %sub3A_27, %broadcast_in_dim3A_31 : vector<256x10112xi1>, vector<256x10112xf32>
    %mul3A_33 = arith.mulf %select_n3A_32, %select_n3A_32 : vector<256x10112xf32>
    %reduce_sum3A_34 = arith.constant dense<0.000000e+00> : vector<256xf32>
    %reduce_sum3A_35 = vector.multi_reduction <add>, %mul3A_33, %reduce_sum3A_34 [1] : vector<256x10112xf32> to vector<256xf32>
    %broadcast_in_dim3A_36 = vector.shape_cast %reduce_sum3A_35 : vector<256xf32> to vector<256x1xf32>
    %mul3A_37 = arith.constant 9.99999974E-5 : f32
    %mul3A_38 = vector.broadcast %mul3A_37 : f32 to vector<256x1xf32>
    %mul3A_39 = arith.mulf %broadcast_in_dim3A_36, %mul3A_38 : vector<256x1xf32>
    %get3A_40 = arith.constant 0 : index
    %get3A_41 = arith.constant 0 : index
    %get3A_42 = vector.load %arg5[%get3A_40, %get3A_41] : memref<256x1xf32, #tpu.memory_space<vmem>>, vector<256x1xf32>
    %mul3A_43 = vector.broadcast %get3A_42 : vector<256x1xf32> to vector<256x10112xf32>
    %mul3A_44 = arith.mulf %mul3A_43, %sub3A_27 : vector<256x10112xf32>
    %add3A_45 = arith.constant 9.99999974E-6 : f32
    %add3A_46 = vector.broadcast %add3A_45 : f32 to vector<256x1xf32>
    %add3A_47 = arith.addf %mul3A_39, %add3A_46 : vector<256x1xf32>
    %rsqrt3A = math.rsqrt %add3A_47 : vector<256x1xf32>
    %mul3A_48 = vector.broadcast %rsqrt3A : vector<256x1xf32> to vector<256x10112xf32>
    %mul3A_49 = arith.mulf %mul3A_44, %mul3A_48 : vector<256x10112xf32>
    %get3A_50 = arith.constant 0 : index
    %get3A_51 = arith.constant 0 : index
    %get3A_52 = vector.load %arg6[%get3A_50, %get3A_51] : memref<256x1xf32, #tpu.memory_space<vmem>>, vector<256x1xf32>
    %add3A_53 = vector.broadcast %get3A_52 : vector<256x1xf32> to vector<256x10112xf32>
    %add3A_54 = arith.addf %mul3A_49, %add3A_53 : vector<256x10112xf32>
    %max3A = arith.constant 0.000000e+00 : f32
    %max3A_55 = vector.broadcast %max3A : f32 to vector<256x10112xf32>
    %max3A_56 = arith.maximumf %add3A_54, %max3A_55 : vector<256x10112xf32>
    %get3A_57 = arith.constant 0 : index
    %get3A_58 = arith.constant 0 : index
    %get3A_59 = vector.load %arg7[%get3A_57, %get3A_58] : memref<128x256xf32, #tpu.memory_space<vmem>>, vector<128x256xf32>
    %dot_general3A_60 = arith.constant dense<0.000000e+00> : vector<128x10112xf32>
    %dot_general3A_61 = tpu.matmul %get3A_59, %max3A_56, %dot_general3A_60 {dimension_numbers = #tpu.dot_dimension_numbers<[1], [0], [0], [1], [0, 0, 1, 1], [], []>, transpose_lhs_hint = false} : vector<128x256xf32>, vector<256x10112xf32>, vector<128x10112xf32> -> vector<128x10112xf32>
    %get3A_62 = arith.constant 0 : index
    %get3A_63 = arith.constant 0 : index
    %get3A_64 = vector.load %arg8[%get3A_62, %get3A_63] : memref<128x1xf32, #tpu.memory_space<vmem>>, vector<128x1xf32>
    %add3A_65 = vector.broadcast %get3A_64 : vector<128x1xf32> to vector<128x10112xf32>
    %add3A_66 = arith.addf %dot_general3A_61, %add3A_65 : vector<128x10112xf32>
    %jit3A_67 = arith.constant 0.000000e+00 : f32
    %broadcast_in_dim3A_68 = vector.shape_cast %lt3A_19 : vector<1x10112xi1> to vector<1x10112xi1>
    %broadcast_in_dim3A_69 = vector.broadcast %broadcast_in_dim3A_68 : vector<1x10112xi1> to vector<128x10112xi1>
    %broadcast_in_dim3A_70 = vector.broadcast %jit3A_67 : f32 to vector<128x10112xf32>
    %select_n3A_71 = arith.select %broadcast_in_dim3A_69, %add3A_66, %broadcast_in_dim3A_70 : vector<128x10112xi1>, vector<128x10112xf32>
    %reduce_sum3A_72 = arith.constant dense<0.000000e+00> : vector<128xf32>
    %reduce_sum3A_73 = vector.multi_reduction <add>, %select_n3A_71, %reduce_sum3A_72 [1] : vector<128x10112xf32> to vector<128xf32>
    %broadcast_in_dim3A_74 = vector.shape_cast %reduce_sum3A_73 : vector<128xf32> to vector<128x1xf32>
    %mul3A_75 = arith.constant 9.99999974E-5 : f32
    %mul3A_76 = vector.broadcast %mul3A_75 : f32 to vector<128x1xf32>
    %mul3A_77 = arith.mulf %broadcast_in_dim3A_74, %mul3A_76 : vector<128x1xf32>
    %sub3A_78 = vector.broadcast %mul3A_77 : vector<128x1xf32> to vector<128x10112xf32>
    %sub3A_79 = arith.subf %add3A_66, %sub3A_78 : vector<128x10112xf32>
    %jit3A_80 = arith.constant 0.000000e+00 : f32
    %broadcast_in_dim3A_81 = vector.shape_cast %lt3A_19 : vector<1x10112xi1> to vector<1x10112xi1>
    %broadcast_in_dim3A_82 = vector.broadcast %broadcast_in_dim3A_81 : vector<1x10112xi1> to vector<128x10112xi1>
    %broadcast_in_dim3A_83 = vector.broadcast %jit3A_80 : f32 to vector<128x10112xf32>
    %select_n3A_84 = arith.select %broadcast_in_dim3A_82, %sub3A_79, %broadcast_in_dim3A_83 : vector<128x10112xi1>, vector<128x10112xf32>
    %mul3A_85 = arith.mulf %select_n3A_84, %select_n3A_84 : vector<128x10112xf32>
    %reduce_sum3A_86 = arith.constant dense<0.000000e+00> : vector<128xf32>
    %reduce_sum3A_87 = vector.multi_reduction <add>, %mul3A_85, %reduce_sum3A_86 [1] : vector<128x10112xf32> to vector<128xf32>
    %broadcast_in_dim3A_88 = vector.shape_cast %reduce_sum3A_87 : vector<128xf32> to vector<128x1xf32>
    %mul3A_89 = arith.constant 9.99999974E-5 : f32
    %mul3A_90 = vector.broadcast %mul3A_89 : f32 to vector<128x1xf32>
    %mul3A_91 = arith.mulf %broadcast_in_dim3A_88, %mul3A_90 : vector<128x1xf32>
    %get3A_92 = arith.constant 0 : index
    %get3A_93 = arith.constant 0 : index
    %get3A_94 = vector.load %arg9[%get3A_92, %get3A_93] : memref<128x1xf32, #tpu.memory_space<vmem>>, vector<128x1xf32>
    %mul3A_95 = vector.broadcast %get3A_94 : vector<128x1xf32> to vector<128x10112xf32>
    %mul3A_96 = arith.mulf %mul3A_95, %sub3A_79 : vector<128x10112xf32>
    %add3A_97 = arith.constant 9.99999974E-6 : f32
    %add3A_98 = vector.broadcast %add3A_97 : f32 to vector<128x1xf32>
    %add3A_99 = arith.addf %mul3A_91, %add3A_98 : vector<128x1xf32>
    %rsqrt3A_100 = math.rsqrt %add3A_99 : vector<128x1xf32>
    %mul3A_101 = vector.broadcast %rsqrt3A_100 : vector<128x1xf32> to vector<128x10112xf32>
    %mul3A_102 = arith.mulf %mul3A_96, %mul3A_101 : vector<128x10112xf32>
    %get3A_103 = arith.constant 0 : index
    %get3A_104 = arith.constant 0 : index
    %get3A_105 = vector.load %arg10[%get3A_103, %get3A_104] : memref<128x1xf32, #tpu.memory_space<vmem>>, vector<128x1xf32>
    %add3A_106 = vector.broadcast %get3A_105 : vector<128x1xf32> to vector<128x10112xf32>
    %add3A_107 = arith.addf %mul3A_102, %add3A_106 : vector<128x10112xf32>
    %max3A_108 = arith.constant 0.000000e+00 : f32
    %max3A_109 = vector.broadcast %max3A_108 : f32 to vector<128x10112xf32>
    %max3A_110 = arith.maximumf %add3A_107, %max3A_109 : vector<128x10112xf32>
    %swap3A = arith.constant 0 : index
    %swap3A_111 = arith.constant 0 : index
    %swap3A_112 = vector.load %arg11[%swap3A, %swap3A_111] : memref<128x10112xf32, #tpu.memory_space<vmem>>, vector<128x10112xf32>
    tpu.vector_store %arg11[%swap3A, %swap3A_111], %max3A_110 {strides = array<i32>} : memref<128x10112xf32, #tpu.memory_space<vmem>>, vector<128x10112xf32>,
    return
  }
}

module attributes {stable_mosaic.version = 14 : i64} {
  func.func @_mlp_body(%arg0: memref<128x10112xf32, #tpu.memory_space<vmem>>, %arg1: memref<128x10112xf32, #tpu.memory_space<vmem>>, %arg2: memref<1x1xf32, #tpu.memory_space<vmem>>, %arg3: memref<256x128xf32, #tpu.memory_space<vmem>>, %arg4: memref<256x1xf32, #tpu.memory_space<vmem>>, %arg5: memref<256x1xf32, #tpu.memory_space<vmem>>, %arg6: memref<256x1xf32, #tpu.memory_space<vmem>>, %arg7: memref<128x256xf32, #tpu.memory_space<vmem>>, %arg8: memref<128x1xf32, #tpu.memory_space<vmem>>, %arg9: memref<128x1xf32, #tpu.memory_space<vmem>>, %arg10: memref<128x1xf32, #tpu.memory_space<vmem>>, %arg11: memref<128x10112xf32, #tpu.memory_space<vmem>>) attributes {dimension_semantics = [], scalar_prefetch = 0 : i64, scratch_operands = 0 : i64, tpu.core_type = #tpu.core_type<tc>} {
    %get3A = arith.constant 0 : index
    %get3A_0 = arith.constant 0 : index
    %get3A_1 = vector.load %arg2[%get3A, %get3A_0] : memref<1x1xf32, #tpu.memory_space<vmem>>, vector<1x1xf32>
    %get3A_2 = arith.constant 0 : index
    %get3A_3 = arith.constant 0 : index
    %get3A_4 = vector.load %arg0[%get3A_2, %get3A_3] : memref<128x10112xf32, #tpu.memory_space<vmem>>, vector<128x10112xf32>
    %mul3A = vector.broadcast %get3A_1 : vector<1x1xf32> to vector<128x10112xf32>
    %mul3A_5 = arith.mulf %mul3A, %get3A_4 : vector<128x10112xf32>
    %get3A_6 = arith.constant 0 : index
    %get3A_7 = arith.constant 0 : index
    %get3A_8 = vector.load %arg1[%get3A_6, %get3A_7] : memref<128x10112xf32, #tpu.memory_space<vmem>>, vector<128x10112xf32>
    %add3A = arith.addf %mul3A_5, %get3A_8 : vector<128x10112xf32>
    %get3A_9 = arith.constant 0 : index
    %get3A_10 = arith.constant 0 : index
    %get3A_11 = vector.load %arg3[%get3A_9, %get3A_10] : memref<256x128xf32, #tpu.memory_space<vmem>>, vector<256x128xf32>
    %dot_general3A = arith.constant dense<0.000000e+00> : vector<256x10112xf32>
    %dot_general3A_12 = tpu.matmul %get3A_11, %add3A, %dot_general3A {dimension_numbers = #tpu.dot_dimension_numbers<[1], [0], [0], [1], [0, 0, 1, 1], [], []>, transpose_lhs_hint = false} : vector<256x128xf32>, vector<128x10112xf32>, vector<256x10112xf32> -> vector<256x10112xf32>
    %get3A_13 = arith.constant 0 : index
    %get3A_14 = arith.constant 0 : index
    %get3A_15 = vector.load %arg4[%get3A_13, %get3A_14] : memref<256x1xf32, #tpu.memory_space<vmem>>, vector<256x1xf32>
    %add3A_16 = vector.broadcast %get3A_15 : vector<256x1xf32> to vector<256x10112xf32>
    %add3A_17 = arith.addf %dot_general3A_12, %add3A_16 : vector<256x10112xf32>
    %iota3A = tpu.iota {dimensions = array<i32: 1>} : vector<1x10112xi32>
    %lt3A = arith.constant 10000 : i32
    %lt3A_18 = vector.broadcast %lt3A : i32 to vector<1x10112xi32>
    %lt3A_19 = arith.cmpi slt, %iota3A, %lt3A_18 : vector<1x10112xi32>
    %jit3A = arith.constant 0.000000e+00 : f32
    %broadcast_in_dim3A = vector.shape_cast %lt3A_19 : vector<1x10112xi1> to vector<1x10112xi1>
    %broadcast_in_dim3A_20 = vector.broadcast %broadcast_in_dim3A : vector<1x10112xi1> to vector<256x10112xi1>
    %broadcast_in_dim3A_21 = vector.broadcast %jit3A : f32 to vector<256x10112xf32>
    %select_n3A = arith.select %broadcast_in_dim3A_20, %add3A_17, %broadcast_in_dim3A_21 : vector<256x10112xi1>, vector<256x10112xf32>
    %reduce_sum3A = arith.constant dense<0.000000e+00> : vector<256xf32>
    %reduce_sum3A_22 = vector.multi_reduction <add>, %select_n3A, %reduce_sum3A [1] : vector<256x10112xf32> to vector<256xf32>
    %broadcast_in_dim3A_23 = vector.shape_cast %reduce_sum3A_22 : vector<256xf32> to vector<256x1xf32>
    %mul3A_24 = arith.constant 9.99999974E-5 : f32
    %mul3A_25 = vector.broadcast %mul3A_24 : f32 to vector<256x1xf32>
    %mul3A_26 = arith.mulf %broadcast_in_dim3A_23, %mul3A_25 : vector<256x1xf32>
    %sub3A = vector.broadcast %mul3A_26 : vector<256x1xf32> to vector<256x10112xf32>
    %sub3A_27 = arith.subf %add3A_17, %sub3A : vector<256x10112xf32>
    %jit3A_28 = arith.constant 0.000000e+00 : f32
    %broadcast_in_dim3A_29 = vector.shape_cast %lt3A_19 : vector<1x10112xi1> to vector<1x10112xi1>
    %broadcast_in_dim3A_30 = vector.broadcast %broadcast_in_dim3A_29 : vector<1x10112xi1> to vector<256x10112xi1>
    %broadcast_in_dim3A_31 = vector.broadcast %jit3A_28 : f32 to vector<256x10112xf32>
    %select_n3A_32 = arith.select %broadcast_in_dim3A_30, %sub3A_27, %broadcast_in_dim3A_31 : vector<256x10112xi1>, vector<256x10112xf32>
    %mul3A_33 = arith.mulf %select_n3A_32, %select_n3A_32 : vector<256x10112xf32>
    %reduce_sum3A_34 = arith.constant dense<0.000000e+00> : vector<256xf32>
    %reduce_sum3A_35 = vector.multi_reduction <add>, %mul3A_33, %reduce_sum3A_34 [1] : vector<256x10112xf32> to vector<256xf32>
    %broadcast_in_dim3A_36 = vector.shape_cast %reduce_sum3A_35 : vector<256xf32> to vector<256x1xf32>
    %mul3A_37 = arith.constant 9.99999974E-5 : f32
    %mul3A_38 = vector.broadcast %mul3A_37 : f32 to vector<256x1xf32>
    %mul3A_39 = arith.mulf %broadcast_in_dim3A_36, %mul3A_38 : vector<256x1xf32>
    %get3A_40 = arith.constant 0 : index
    %get3A_41 = arith.constant 0 : index
    %get3A_42 = vector.load %arg5[%get3A_40, %get3A_41] : memref<256x1xf32, #tpu.memory_space<vmem>>, vector<256x1xf32>
    %mul3A_43 = vector.broadcast %get3A_42 : vector<256x1xf32> to vector<256x10112xf32>
    %mul3A_44 = arith.mulf %mul3A_43, %sub3A_27 : vector<256x10112xf32>
    %add3A_45 = arith.constant 9.99999974E-6 : f32
    %add3A_46 = vector.broadcast %add3A_45 : f32 to vector<256x1xf32>
    %add3A_47 = arith.addf %mul3A_39, %add3A_46 : vector<256x1xf32>
    %rsqrt3A = math.rsqrt %add3A_47 : vector<256x1xf32>
    %mul3A_48 = vector.broadcast %rsqrt3A : vector<256x1xf32> to vector<256x10112xf32>
    %mul3A_49 = arith.mulf %mul3A_44, %mul3A_48 : vector<256x10112xf32>
    %get3A_50 = arith.constant 0 : index
    %get3A_51 = arith.constant 0 : index
    %get3A_52 = vector.load %arg6[%get3A_50, %get3A_51] : memref<256x1xf32, #tpu.memory_space<vmem>>, vector<256x1xf32>
    %add3A_53 = vector.broadcast %get3A_52 : vector<256x1xf32> to vector<256x10112xf32>
    %add3A_54 = arith.addf %mul3A_49, %add3A_53 : vector<256x10112xf32>
    %max3A = arith.constant 0.000000e+00 : f32
    %max3A_55 = vector.broadcast %max3A : f32 to vector<256x10112xf32>
    %max3A_56 = arith.maximumf %add3A_54, %max3A_55 : vector<256x10112xf32>
    %get3A_57 = arith.constant 0 : index
    %get3A_58 = arith.constant 0 : index
    %get3A_59 = vector.load %arg7[%get3A_57, %get3A_58] : memref<128x256xf32, #tpu.memory_space<vmem>>, vector<128x256xf32>
    %dot_general3A_60 = arith.constant dense<0.000000e+00> : vector<128x10112xf32>
    %dot_general3A_61 = tpu.matmul %get3A_59, %max3A_56, %dot_general3A_60 {dimension_numbers = #tpu.dot_dimension_numbers<[1], [0], [0], [1], [0, 0, 1, 1], [], []>, transpose_lhs_hint = false} : vector<128x256xf32>, vector<256x10112xf32>, vector<128x10112xf32> -> vector<128x10112xf32>
    %get3A_62 = arith.constant 0 : index
    %get3A_63 = arith.constant 0 : index
    %get3A_64 = vector.load %arg8[%get3A_62, %get3A_63] : memref<128x1xf32, #tpu.memory_space<vmem>>, vector<128x1xf32>
    %add3A_65 = vector.broadcast %get3A_64 : vector<128x1xf32> to vector<128x10112xf32>
    %add3A_66 = arith.addf %dot_general3A_61, %add3A_65 : vector<128x10112xf32>
    %jit3A_67 = arith.constant 0.000000e+00 : f32
    %broadcast_in_dim3A_68 = vector.shape_cast %lt3A_19 : vector<1x10112xi1> to vector<1x10112xi1>
    %broadcast_in_dim3A_69 = vector.broadcast %broadcast_in_dim3A_68 : vector<1x10112xi1> to vector<128x10112xi1>
    %broadcast_in_dim3A_70 = vector.broadcast %jit3A_67 : f32 to vector<128x10112xf32>
    %select_n3A_71 = arith.select %broadcast_in_dim3A_69, %add3A_66, %broadcast_in_dim3A_70 : vector<128x10112xi1>, vector<128x10112xf32>
    %reduce_sum3A_72 = arith.constant dense<0.000000e+00> : vector<128xf32>
    %reduce_sum3A_73 = vector.multi_reduction <add>, %select_n3A_71, %reduce_sum3A_72 [1] : vector<128x10112xf32> to vector<128xf32>
    %broadcast_in_dim3A_74 = vector.shape_cast %reduce_sum3A_73 : vector<128xf32> to vector<128x1xf32>
    %mul3A_75 = arith.constant 9.99999974E-5 : f32
    %mul3A_76 = vector.broadcast %mul3A_75 : f32 to vector<128x1xf32>
    %mul3A_77 = arith.mulf %broadcast_in_dim3A_74, %mul3A_76 : vector<128x1xf32>
    %sub3A_78 = vector.broadcast %mul3A_77 : vector<128x1xf32> to vector<128x10112xf32>
    %sub3A_79 = arith.subf %add3A_66, %sub3A_78 : vector<128x10112xf32>
    %jit3A_80 = arith.constant 0.000000e+00 : f32
    %broadcast_in_dim3A_81 = vector.shape_cast %lt3A_19 : vector<1x10112xi1> to vector<1x10112xi1>
    %broadcast_in_dim3A_82 = vector.broadcast %broadcast_in_dim3A_81 : vector<1x10112xi1> to vector<128x10112xi1>
    %broadcast_in_dim3A_83 = vector.broadcast %jit3A_80 : f32 to vector<128x10112xf32>
    %select_n3A_84 = arith.select %broadcast_in_dim3A_82, %sub3A_79, %broadcast_in_dim3A_83 : vector<128x10112xi1>, vector<128x10112xf32>
    %mul3A_85 = arith.mulf %select_n3A_84, %select_n3A_84 : vector<128x10112xf32>
    %reduce_sum3A_86 = arith.constant dense<0.000000e+00> : vector<128xf32>
    %reduce_sum3A_87 = vector.multi_reduction <add>, %mul3A_85, %reduce_sum3A_86 [1] : vector<128x10112xf32> to vector<128xf32>
    %broadcast_in_dim3A_88 = vector.shape_cast %reduce_sum3A_87 : vector<128xf32> to vector<128x1xf32>
    %mul3A_89 = arith.constant 9.99999974E-5 : f32
    %mul3A_90 = vector.broadcast %mul3A_89 : f32 to vector<128x1xf32>
    %mul3A_91 = arith.mulf %broadcast_in_dim3A_88, %mul3A_90 : vector<128x1xf32>
    %get3A_92 = arith.constant 0 : index
    %get3A_93 = arith.constant 0 : index
    %get3A_94 = vector.load %arg9[%get3A_92, %get3A_93] : memref<128x1xf32, #tpu.memory_space<vmem>>, vector<128x1xf32>
    %mul3A_95 = vector.broadcast %get3A_94 : vector<128x1xf32> to vector<128x10112xf32>
    %mul3A_96 = arith.mulf %mul3A_95, %sub3A_79 : vector<128x10112xf32>
    %add3A_97 = arith.constant 9.99999974E-6 : f32
    %add3A_98 = vector.broadcast %add3A_97 : f32 to vector<128x1xf32>
    %add3A_99 = arith.addf %mul3A_91, %add3A_98 : vector<128x1xf32>
    %rsqrt3A_100 = math.rsqrt %add3A_99 : vector<128x1xf32>
    %mul3A_101 = vector.broadcast %rsqrt3A_100 : vector<128x1xf32> to vector<128x10112xf32>
    %mul3A_102 = arith.mulf %mul3A_96, %mul3A_101 : vector<128x10112xf32>
    %get3A_103 = arith.constant 0 : index
    %get3A_104 = arith.constant 0 : index
    %get3A_105 = vector.load %arg10[%get3A_103, %get3A_104] : memref<128x1xf32, #tpu.memory_space<vmem>>, vector<128x1xf32>
    %add3A_106 = vector.broadcast %get3A_105 : vector<128x1xf32> to vector<128x10112xf32>
    %add3A_107 = arith.addf %mul3A_102, %add3A_106 : vector<128x10112xf32>
    %swap3A = arith.constant 0 : index
    %swap3A_108 = arith.constant 0 : index
    %swap3A_109 = vector.load %arg11[%swap3A, %swap3A_108] : memref<128x10112xf32, #tpu.memory_space<vmem>>, vector<128x10112xf32>
    tpu.vector_store %arg11[%swap3A, %swap3A_108], %add3A_107 {strides = array<i32>} : memref<128x10112xf32, #tpu.memory_space<vmem>>, vector<128x10112xf32>,
    return
  }
}

</mosaic_0001>

<sc_bundles>
// kernel: kernel.6.cloned.1.call-start
scs
__scs_entry_jumppad:
0x0: {  	(pc) =	sbr.rel $0x88, $3  }
0x1: {  	(tag) =	ssettag $0x0;
	lr =	simm.s32 $0x1  }
0x2: {  	[smem:$0x3F86] =	sst lr;
	_ =	strace $0xD0000000  }
0x3: {  	_ = 	snop  }
0x4: {  	_ = 	snop  }
0x5: {  	_ = 	snop  }
0x6: {  	_ = 	snop  }
0x7: {  	_ = 	snop  }
__scs_overlays_trampoline_lowered:
0x8: {  	[smem:$0x3F95] =	sst s0  }
0x9: {  	[smem:$0x3F96] =	sst s1  }
0xa: {  	[smem:$0x3F97] =	sst s2  }
0xb: {  	[smem:$0x3F98] =	sst s3  }
0xc: {  	[smem:$0x3F99] =	sst s4  }
0xd: {  	[smem:$0x3F9A] =	sst s5  }
0xe: {  	[smem:$0x3F9B] =	sst s6  }
0xf: {  	[smem:$0x3F9C] =	sst s7  }
0x10: {  	[smem:$0x3F9D] =	sst s8  }
0x11: {  	[smem:$0x3F9E] =	sst s9;
	s0 =	simm.s32 @!p0 $0x0  }
0x12: {  	s1 =	sld [smem:$0x3F84];
	s0 =	simm.s32 @p0 $0x1  }
0x13: {  	[smem:$0x3F9F] =	sst s0;
	s0 =	simm.s32 @!p1 $0x0  }
0x14: {  	s2 =	sld [smem:$0x3F83];
	s0 =	simm.s32 @p1 $0x1  }
0x15: {  	[smem:$0x3FA0] =	sst s0;
	s0 =	simm.s32 @!p2 $0x0  }
0x16: {  	s3 =	sld [smem:$0x3FDB];
	s0 =	simm.s32 @p2 $0x1  }
0x17: {  	s4 =	simm.s32 $0x1BF5;
	[smem:$0x3FA2] =	sst s0  }
0x18: {  	s0 =	sld [smem:$0x3F85];
	_ =	swait.ge [sflag:s4], $0x0  }
0x19: {  	s7 =	sld [smem:$0x3F86]  }
0x1a: {  	s8 =	sadd.s32 $0xFFFFE003, lr  }
0x1b: {  	s9 =	sadd.s32 $0xFFFFFEF7, lr;
	s5 =	simm.s32 $0xFFFFFFFF;
	p2 =	slt.u32 s8, $0xFFFFF086  }
0x1c: {  	p1 =	slt.u32 s9, $0xF7A;
	s5 =	simm.s32 @!p2 $0x0  }
0x1d: {  	s5 =	simm.s32 @p1 $0x1;
	p0 =	seq.s32 s7, s2  }
0x1e: {  	s7 =	smul.u32 @!p0 $0xF7A, s2;
	p2 =	seq.s32 @!p0 s5, $0x0  }
0x1f: {  	s9 =	smul.u32 $0xF7A, s1;
	s8 =	simm.s32 @!p0 $0x1BF5;
	p2 =	por !p2, p0  }
0x20: {  	[sflag:s8] =	ssyncset.s32 @!p0 $0xFFFFF086;
	s6 =	sadd.s32 @!p0 s3, s7;
	s7 =	simm.s32 @!p0 $0x108  }
0x21: {  	s3 =	sadd.s32 s3, s9;
	s6 =	sadd.s32 @!p0 $0x88, s6;
	s7 =	simm.s32 @p2 $0x1082  }
0x22: {  	[simem:s7], [sflag:s8] =	dma.local @!p0 [hbm:s6], $0xF7A  }
0x23: {  	s9 =	sor.u32 $0xD0000000, s2;
	s6 =	simm.s32 $0x108;
	_ =	swait.ge @!p0 [sflag:s8], $0x0  }
0x24: {  	s3 =	sadd.s32 $0x88, s3;
	s6 =	simm.s32 @!p1 $0x1082;
	[sflag:s4] =	ssyncset.s32 $0xFFFFF086  }
0x25: {  	[simem:s6], [sflag:s4] =	dma.local [hbm:s3], $0xF7A  }
0x26: {  	[smem:$0x3F86] =	sst s1;
	(tag) =	ssettag s2;
	_ =	strace s9  }
0x27: {  	s1 =	sld [smem:$0x3F96]  }
0x28: {  	s2 =	sld [smem:$0x3F97]  }
0x29: {  	s4 =	sld [smem:$0x3F99]  }
0x2a: {  	p0 =	seq.s32 s5, $0x0;
	s5 =	sld [smem:$0x3F9A]  }
0x2b: {  	s6 =	sld [smem:$0x3F9B]  }
0x2c: {  	s7 =	sld [smem:$0x3F9C]  }
0x2d: {  	s3 =	simm.s32 $0x108;
	s8 =	sld [smem:$0x3F9D]  }
0x2e: {  	s3 =	simm.s32 @!p0 $0x1082;
	s9 =	sld [smem:$0x3F9E]  }
0x2f: {  	lr =	sadd.s32 s0, s3;
	s0 =	sld [smem:$0x3F95]  }
0x30: {  	s3 =	sld [smem:$0x3F98]  }
0x31: {  	[smem:$0x3FA1] =	sst s10  }
0x32: {  	s10 =	sld [smem:$0x3F9F];
	_ =	sdelay $0x3  }
0x33: {  	p0 =	seq.s32 s10, $0x1;
	s10 =	sld [smem:$0x3FA1];
	_ =	sdelay $0x3  }
0x34: {  	[smem:$0x3FA1] =	sst s10  }
0x35: {  	s10 =	sld [smem:$0x3FA0];
	_ =	sdelay $0x3  }
0x36: {  	p1 =	seq.s32 s10, $0x1;
	s10 =	sld [smem:$0x3FA1];
	_ =	sdelay $0x3  }
0x37: {  	[smem:$0x3FA1] =	sst s10  }
0x38: {  	s10 =	sld [smem:$0x3FA2]  }
0x39: {  	_ = 	snop;
	(pc) =	sbr.ind lr, $3  }
0x3a: {  	_ = 	snop  }
0x3b: {  	_ = 	snop  }
0x3c: {  	p2 =	seq.s32 s10, $0x1;
	s10 =	sld [smem:$0x3FA1]  }
0x3d: {  	_ =	shalt  }
0x3e: {  	_ =	shalt  }
0x3f: {  	_ =	shalt  }
0x40: {  	_ =	shalt  }
0x41: {  	_ =	shalt  }
0x42: {  	_ =	shalt  }
0x43: {  	_ =	shalt  }
0x44: {  	_ =	shalt  }
0x45: {  	_ =	shalt  }
0x46: {  	_ =	shalt  }
0x47: {  	_ =	shalt  }
0x48: {  	_ =	shalt  }
0x49: {  	_ =	shalt  }
0x4a: {  	_ =	shalt  }
0x4b: {  	_ =	shalt  }
0x4c: {  	_ =	shalt  }
0x4d: {  	_ =	shalt  }
0x4e: {  	_ =	shalt  }
0x4f: {  	_ =	shalt  }
0x50: {  	_ =	shalt  }
0x51: {  	_ =	shalt  }
0x52: {  	_ =	shalt  }
0x53: {  	_ =	shalt  }
0x54: {  	_ =	shalt  }
0x55: {  	_ =	shalt  }
0x56: {  	_ =	shalt  }
0x57: {  	_ =	shalt  }
0x58: {  	_ =	shalt  }
0x59: {  	_ =	shalt  }
0x5a: {  	_ =	shalt  }
0x5b: {  	_ =	shalt  }
0x5c: {  	_ =	shalt  }
0x5d: {  	_ =	shalt  }
0x5e: {  	_ =	shalt  }
0x5f: {  	_ =	shalt  }
0x60: {  	_ =	shalt  }
0x61: {  	_ =	shalt  }
0x62: {  	_ =	shalt  }
0x63: {  	_ =	shalt  }
0x64: {  	_ =	shalt  }
0x65: {  	_ =	shalt  }
0x66: {  	_ =	shalt  }
0x67: {  	_ =	shalt  }
0x68: {  	_ =	shalt  }
0x69: {  	_ =	shalt  }
0x6a: {  	_ =	shalt  }
0x6b: {  	_ =	shalt  }
0x6c: {  	_ =	shalt  }
0x6d: {  	_ =	shalt  }
0x6e: {  	_ =	shalt  }
0x6f: {  	_ =	shalt  }
0x70: {  	_ =	shalt  }
0x71: {  	_ =	shalt  }
0x72: {  	_ =	shalt  }
0x73: {  	_ =	shalt  }
0x74: {  	_ =	shalt  }
0x75: {  	_ =	shalt  }
0x76: {  	_ =	shalt  }
0x77: {  	_ =	shalt  }
0x78: {  	_ =	shalt  }
0x79: {  	_ =	shalt  }
0x7a: {  	_ =	shalt  }
0x7b: {  	_ =	shalt  }
0x7c: {  	_ =	shalt  }
0x7d: {  	_ =	shalt  }
0x7e: {  	_ =	shalt  }
0x7f: {  	_ =	shalt  }
0x80: {  	_ =	shalt  }
0x81: {  	_ =	shalt  }
0x82: {  	_ =	shalt  }
0x83: {  	_ =	shalt  }
0x84: {  	_ =	shalt  }
0x85: {  	_ =	shalt  }
0x86: {  	_ =	shalt  }
0x87: {  	_ =	shalt  }
.Lfunc_end0:
.L_simem_size_0:
called_computation_lowered:
.L_overlay_start_0:
0x88: {  	s2 =	sld [smem:$0x3FD9]  }
0x89: {  	s3 =	sld [smem:$0x3FFE];
	_ =	sdelay $0x1  }
0x8a: {  	s1 =	srdreg.scid  }
0x8b: {  	s0 =	sand.u32 $0x1, s1  }
0x8c: {  	s17 =	sshll.u32 s0, $0xA;
	s2 =	sadd.s32 s3, s2  }
0x8d: {  	s2 =	sadd.s32 s2, s17  }
0x8e: {  	[smem:$0x3FAD] =	sst s2  }
0x8f: {  	_ = 	snop  }
0x90: {  	s2 =	sld [smem:$0x3FD0];
	(tm) =	ssettm $0x1  }
0x91: {  	s18 =	sld [smem:$0x3FFB];
	_ =	sdelay $0x3  }
0x92: {  	_ =	strace s18  }
0x93: {  	s3 =	sld [smem:$0x3FFC];
	_ =	sdelay $0x3  }
0x94: {  	_ =	strace s3  }
0x95: {  	s3 =	sld [smem:$0x3FFD];
	_ =	sdelay $0x3  }
0x96: {  	_ =	strace s3  }
0x97: {  	_ =	strace $0x8FFFFFFF  }
0x98: {  	s19 =	sld [smem:$0x3FDB];
	_ =	sdelay $0x1  }
0x99: {  	s4 =	simm.s32 $_scs_section_size  }
0x9a: {  	s5 =	simm.s32 $_size__tile_overlayer_lowered;
	s6 =	simm.s32 $_tile_overlayer_lowered  }
0x9b: {  	s22 =	simm.s32 $0x1BFF;
	s21 =	sshll.u32 s6, $0x1;
	s3 =	sadd.s32 s4, s19  }
0x9c: {  	s7 =	simm.s32 $0x0;
	s20 =	sshll.u32 s5, $0x1;
	s5 =	sadd.s32 s21, s3  }
0x9d: {  	[timem:s7], [sflag:s22] =	dma.local [hbm:s5], s20  }
0x9e: {  	_ =	swait.ge [sflag:s22], s20  }
0x9f: {  	s4 =	ssub.s32 $0x0, s20;
	[sflag:s22] =	ssyncset.done $0x0  }
0xa0: {  	[sflag:s22] =	ssyncadd.s32 s4;
	_ =	sdelay $0x1  }
0xa1: {  	s23 =	simm.s32 $0x1B8B  }
0xa2: {  	_ =	swait.ge [sflag:s23], $0x1  }
0xa3: {  	[sflag:s23] =	ssyncset.done $0x0  }
0xa4: {  	s25 =	simm.s32 $0x1B8E;
	s24 =	sld [smem:$0x3FFE];
	[sflag:s23] =	ssyncadd.s32 $0xFFFFFFFF  }
0xa5: {  	s26 =	simm.s32 $execute0_lowered;
	[smem:$0x3FD2] =	sst s25  }
0xa6: {  	s5 =	sshll.u32 s26, $0x1;
	_ =	strace $0x80000046;
	[dreg:$0x1] =	wrdreg $0xFFFFFFFF  }
0xa7: {  	s28 =	simm.s32 $_size_execute0_lowered;
	s3 =	sadd.s32 s3, s5;
	[dreg:$0x0] =	wrdreg $0x0  }
0xa8: {  	s5 =	sshll.u32 s28, $0x1;
	[dreg:$0x2] =	wrdreg s3  }
0xa9: {  	[dreg:$0x3] =	wrdreg s5  }
0xaa: {  	[dreg:$0x4] =	wrdreg $0xC0  }
0xab: {  	_ =	task [dreg:s7], $0x5FFFF  }
0xac: {  	[dreg:$0x1] =	wrdreg $0xFFFFFFFF  }
0xad: {  	[dreg:$0x0] =	wrdreg $0x60  }
0xae: {  	[dreg:$0x2] =	wrdreg s24  }
0xaf: {  	[dreg:$0x3] =	wrdreg s2  }
0xb0: {  	[dreg:$0x4] =	wrdreg $0x9  }
0xb1: {  	_ =	task.clear_ibuf [dreg:s7], $0x5FFFF;
	_ =	strace $0x90000046  }
0xb2: {  	s29 =	simm.s32 $0x9;
	_ =	strace $0x80000048  }
0xb3: {  	_ =	swait.ge [sflag:s29], $0x1  }
0xb4: {  	[sflag:s29] =	ssyncadd.s32 $0xFFFFFFFF  }
0xb5: {  	_ =	strace $0x90000048  }
0xb6: {  	_ =	sfence  }
0xb7: {  	s30 =	sld [smem:$0x0];
	_ =	sdelay $0x2  }
0xb8: {  	s31 =	sshll.u32 s1, $0xD;
	s1 =	sshrl.u32 s1, $0x2  }
0xb9: {  	s3 =	sand.u32 $0x4000, s31;
	s1 =	sadd.s32 s1, s30  }
0xba: {  	s0 =	sor.u32 s3, s0;
	s1 =	sshll.u32 s1, $0x11  }
0xbb: {  	s0 =	sor.u32 s1, s0  }
0xbc: {  	s0 =	sadd.s32 $0x8F2B, s0  }
0xbd: {  	[sflag:s0] =	ssyncadd.remote.s32 $0x1  }
0xbe: {  	_ =	sfence.sel $0xFFFF  }
0xbf: {  	[dreg:$0x0] =	wrdreg $0xFFFFFFFF;
	(pc) =	sbr.abs _section_cstart, $3  }
0xc0: {  	[dreg:$0x1] =	wrdreg $0xFFFFFFFF  }
0xc1: {  	_ =	task.clear_ibuf [dreg:s7], $0x2FFFF;
	_ =	strace $0x9FFFFFFF  }
0xc2: {  	(tm) =	ssettm $0x7FFFFFFF  }
0xc3: {  	_ =	shalt  }
tec
execute0_lowered:
.L_overlay_start_1:
0x0: {  	(tag) =	ssettag $0x1  }
0x1: {  	s4 =	rddreg [dreg:$0x0]  }
0x2: {  	s0 =	srdreg.scid;
	s2 =	rddreg [dreg:$0x1]  }
0x3: {  	s1 =	stileid.u32;
	s3 =	simm.s32 $0x0;
	s11 =	simm.s32 $0x13D00  }
0x4: {  	s12 =	simm.s32 $0x3;
	s13 =	simm.s32 $0x13C00;
	s14 =	simm.s32 $0x1  }
0x5: {  	s15 =	simm.s32 $0x9E00;
	s16 =	simm.s32 $0xC580;
	s17 =	simm.s32 $0xED00  }
0x6: {  	s18 =	simm.s32 $0x11480;
	s19 =	simm.s32 $0x2;
	s20 =	simm.s32 $0x0  }
0x7: {  	s5 =	sand.u32 $0x1, s0;
	s0 =	rddreg [dreg:$0x2];
	s7 =	smul.u32 $0x9E00, s1  }
0x8: {  	[smem:$0x7FF] =	sst s3;
	s8 =	sshll.u32 s1, $0x5;
	s6 =	smul.u32 $0x9E000, s5  }
0x9: {  	_ =	strace $0x80000047;
	s8 =	sadd.s32 s8, s4;
	s30 =	ssub.s32 $0x2, s5  }
.Ltmp0:
0xa: {  	s5 =	sshll.u32 s5, $0x9;
	s6 =	sadd.s32 s7, s6;
	(pc) =	sbr.rel .LBB2_1-.Ltmp0, $4  }
0xb: {  	s31 =	sshrl.u32 s30, $0x1;
	s5 =	sadd.s32 s5, s8;
	s6 =	sshrl.u32 s6, $0x3  }
0xc: {  	s10 =	ssub.s32 s30, s31;
	s5 =	sadd.s32 $0x2A800, s5;
	s9 =	sadd.s32 s6, s4  }
0xd: {  	s10 =	smax.u32 s10, $0x1;
	s4 =	sadd.s32 $0x3000, s9;
	s6 =	sadd.s32 $0x2AC00, s9  }
0xe: {  	v0 =	vimm.f32 $0.0e+00;
	s7 =	sadd.s32 $0x2B0F0, s9;
	s8 =	sadd.s32 $0x2B5E0, s9;
	s9 =	sadd.s32 $0x2BAD0, s9  }
.LBB2_11:
0xf: {  	[hbm4b:s6+s3] =	stream.linear.scatter [tilespmem:s15], [sflag:$0x3], $0x2780, $0x38;
	[tilespmem:$0x16D00] =	vst v63  }
0x10: {  	_ =	swait.ge [sflag:s12], $0x2780  }
0x11: {  	[sflag:s12] =	ssyncset.done $0x0  }
0x12: {  	[sflag:s12] =	ssyncadd.s32 $0xFFFFD880  }
0x13: {  	[hbm4b:s7+s3] =	stream.linear.scatter [tilespmem:s16], [sflag:$0x3], $0x2780, $0x38;
	[tilespmem:$0x16D00] =	vst v63  }
0x14: {  	_ =	swait.ge [sflag:s12], $0x2780  }
0x15: {  	[sflag:s12] =	ssyncset.done $0x0  }
0x16: {  	[sflag:s12] =	ssyncadd.s32 $0xFFFFD880  }
0x17: {  	[hbm4b:s8+s3] =	stream.linear.scatter [tilespmem:s17], [sflag:$0x3], $0x2780, $0x38;
	[tilespmem:$0x16D00] =	vst v63  }
0x18: {  	s20 =	sadd.s32 $0x1, s20;
	_ =	swait.ge [sflag:s12], $0x2780  }
0x19: {  	p0 =	sne.s32 s20, s10;
	[sflag:s12] =	ssyncset.done $0x0  }
.Ltmp1:
0x1a: {  	[sflag:s12] =	ssyncadd.s32 $0xFFFFD880;
	(pc) =	sbr.rel @!p0 .LBB2_12-.Ltmp1, $4  }
0x1b: {  	[hbm4b:s9+s3] =	stream.linear.scatter [tilespmem:s18], [sflag:$0x3], $0x2780, $0x38;
	[tilespmem:$0x16D00] =	vst v63  }
0x1c: {  	_ =	swait.ge [sflag:s12], $0x2780  }
0x1d: {  	[sflag:s12] =	ssyncset.done $0x0  }
0x1e: {  	[sflag:s12] =	ssyncadd.s32 $0xFFFFD880  }
.LBB2_1:
0x1f: {  	[tilespmem:s11], [sflag:$0x1] =	stream.linear.gather [hbm4b:s2+s3], $0x1800, $0x38;
	[tilespmem:$0x16D00] =	vst v63  }
0x20: {  	_ = 	snop  }
0x21: {  	[tilespmem:s3], [sflag:$0x3] =	stream.linear.gather [hbm4b:s4+s3], $0x9E00, $0x38;
	[tilespmem:$0x16D00] =	vst v63  }
0x22: {  	_ =	swait.ge [sflag:s12], $0x9E00  }
0x23: {  	[sflag:s12] =	ssyncset.done $0x0  }
0x24: {  	[sflag:s12] =	ssyncadd.s32 $0xFFFF6200  }
0x25: {  	[tilespmem:s13], [sflag:$0x3] =	stream.linear.gather [hbm4b:s5+s3], $0x100, $0x38;
	[tilespmem:$0x16D00] =	vst v63  }
0x26: {  	_ =	swait.ge [sflag:s12], $0x100  }
0x27: {  	[sflag:s12] =	ssyncset.done $0x0  }
0x28: {  	s21 =	simm.s32 $0x40;
	s22 =	simm.s32 $0x0;
	[sflag:s12] =	ssyncadd.s32 $0xFFFFFF00  }
.LBB2_2:
0x29: {  	p0 =	sne.s32 s21, $0x9DC0;
	[tilespmem:s22+$0x11480] =	vst v0;
	s23 =	smov.u32 s21;
	s21 =	sadd.s32 $0x40, s21  }
.Ltmp2:
0x2a: {  	[tilespmem:s22+$0xED00] =	vst v0;
	(pc) =	sbr.rel @p0 .LBB2_2-.Ltmp2, $3  }
0x2b: {  	[tilespmem:s22+$0x9E00] =	vst v0  }
0x2c: {  	[tilespmem:s22+$0xC580] =	vst v0;
	_ =	sdelay $0x1  }
0x2d: {  	s22 =	sshra.s32 s23, $0x2  }
.Ltmp3:
0x2e: {  	(pc) =	sbr.rel .LBB2_4-.Ltmp3, $4  }
0x2f: {  	[tilespmem:s22+$0x11480] =	vst v0  }
0x30: {  	[tilespmem:s22+$0xED00] =	vst v0  }
0x31: {  	[tilespmem:s22+$0x9E00] =	vst v0  }
0x32: {  	s21 =	simm.s32 $0x0;
	[tilespmem:s22+$0xC580] =	vst v0  }
.LBB2_10:
0x33: {  	s21 =	sadd.s32 $0x1, s21  }
0x34: {  	p0 =	sne.s32 s21, $0x4F  }
.Ltmp4:
0x35: {  	_ = 	snop;
	(pc) =	sbr.rel @!p0 .LBB2_11-.Ltmp4, $1  }
0x36: {  	_ =	sdelay $0x3  }
.LBB2_4:
0x37: {  	s22 =	sshllo.u32 s21, $0x1  }
0x38: {  	_ =	swait.ge [sflag:s14], $0x1800;
	p0 =	sgt.u32 s22, $0x9C  }
0x39: {  	[sflag:s14] =	ssyncset.done $0x0;
	s22 =	smul.u32 @!p0 $0x300, s22  }
0x3a: {  	s31 =	simm.s32 $0x0;
	[sflag:s14] =	ssyncadd.s32 $0xFFFFE800  }
0x3b: {  	s23 =	simm.s32 @!p0 $0x0;
	s24 =	simm.s32 @!p0 $0x15500;
	s22 =	sadd.s32 @!p0 s2, s22  }
0x3c: {  	[tilespmem:s24], [sflag:$0x2] =	stream.linear.gather @!p0 [hbm4b:s22+s23], $0x1800, $0x38;
	[tilespmem:$0x16D00] =	vst v63  }
0x3d: {  	v2 =	vld [tilespmem:s31+$0x13D00]  }
0x3e: {  	v3 =	vld [tilespmem:s31+$0x14D00];
	_ =	sdelay $0x5  }
0x3f: {  	v1 =	vld [tilespmem:s31+$0x14500]  }
0x40: {  	v4 =	vld.idx.msk [tilespmem:v2+s3+$0x0], $0xffff  }
0x41: {  	v5 =	vld.idx.msk [tilespmem:v3+s13+$0x0], $0xffff;
	_ =	sdelay $0x3  }
0x42: {  	v6 =	vadd.s32 $0x2780, v2  }
0x43: {  	v7 =	vadd.s32 $0x40, v3;
	v4 =	vadd.f32 v5, v4;
	_ =	sdelay $0x1  }
0x44: {  	v4 =	vmax.f32 v4, $0.0e+00  }
0x45: {  	[tilespmem:v1+s15+$0x0] =	vst.idx.add.f32.msk $0xffff, v4  }
0x46: {  	v4 =	vld.idx.msk [tilespmem:v6+s3+$0x0], $0xffff  }
0x47: {  	v5 =	vld.idx.msk [tilespmem:v7+s13+$0x0], $0xffff;
	_ =	sdelay $0x3  }
0x48: {  	v62 =	vadd.s32 $0x4F00, v2  }
0x49: {  	v63 =	vadd.s32 $0x80, v3;
	v4 =	vadd.f32 v5, v4;
	_ =	sdelay $0x1  }
0x4a: {  	v4 =	vmax.f32 v4, $0.0e+00  }
0x4b: {  	[tilespmem:v1+s16+$0x0] =	vst.idx.add.f32.msk $0xffff, v4  }
0x4c: {  	v4 =	vld.idx.msk [tilespmem:v62+s3+$0x0], $0xffff  }
0x4d: {  	v5 =	vld.idx.msk [tilespmem:v63+s13+$0x0], $0xffff;
	_ =	sdelay $0x3  }
0x4e: {  	v2 =	vadd.s32 $0x7680, v2  }
0x4f: {  	v3 =	vadd.s32 $0xC0, v3;
	v4 =	vadd.f32 v5, v4;
	_ =	sdelay $0x1  }
0x50: {  	v4 =	vmax.f32 v4, $0.0e+00  }
0x51: {  	[tilespmem:v1+s17+$0x0] =	vst.idx.add.f32.msk $0xffff, v4  }
0x52: {  	v2 =	vld.idx.msk [tilespmem:v2+s3+$0x0], $0xffff  }
0x53: {  	s22 =	simm.s32 $0x40;
	v3 =	vld.idx.msk [tilespmem:v3+s13+$0x0], $0xffff  }
.LBB2_5:
0x54: {  	_ =	sdelay $0x2  }
0x55: {  	p1 =	sne.s32 s22, $0x1FC0;
	s23 =	smov.u32 s22;
	s22 =	sadd.s32 $0x40, s22  }
0x56: {  	v2 =	vadd.f32 v3, v2;
	_ =	sdelay $0x1  }
0x57: {  	v2 =	vmax.f32 v2, $0.0e+00  }
0x58: {  	s23 =	sshra.s32 s23, $0x2;
	[tilespmem:v1+s18+$0x0] =	vst.idx.add.f32.msk $0xffff, v2  }
0x59: {  	v2 =	vld [tilespmem:s23+$0x13D00]  }
0x5a: {  	v3 =	vld [tilespmem:s23+$0x14D00];
	_ =	sdelay $0x5  }
0x5b: {  	v1 =	vld [tilespmem:s23+$0x14500]  }
0x5c: {  	v4 =	vld.idx.msk [tilespmem:v2+s3+$0x0], $0xffff  }
0x5d: {  	v5 =	vld.idx.msk [tilespmem:v3+s13+$0x0], $0xffff;
	_ =	sdelay $0x4  }
0x5e: {  	v6 =	vadd.s32 $0x2780, v2;
	v7 =	vadd.s32 $0x40, v3  }
0x5f: {  	v4 =	vadd.f32 v5, v4;
	_ =	sdelay $0x1  }
0x60: {  	v4 =	vmax.f32 v4, $0.0e+00  }
0x61: {  	[tilespmem:v1+s15+$0x0] =	vst.idx.add.f32.msk $0xffff, v4  }
0x62: {  	v4 =	vld.idx.msk [tilespmem:v6+s3+$0x0], $0xffff  }
0x63: {  	v5 =	vld.idx.msk [tilespmem:v7+s13+$0x0], $0xffff;
	_ =	sdelay $0x4  }
0x64: {  	v6 =	vadd.s32 $0x4F00, v2;
	v7 =	vadd.s32 $0x80, v3  }
0x65: {  	v4 =	vadd.f32 v5, v4;
	_ =	sdelay $0x1  }
0x66: {  	v4 =	vmax.f32 v4, $0.0e+00  }
0x67: {  	[tilespmem:v1+s16+$0x0] =	vst.idx.add.f32.msk $0xffff, v4  }
0x68: {  	v4 =	vld.idx.msk [tilespmem:v6+s3+$0x0], $0xffff  }
0x69: {  	v5 =	vld.idx.msk [tilespmem:v7+s13+$0x0], $0xffff;
	_ =	sdelay $0x4  }
0x6a: {  	v2 =	vadd.s32 $0x7680, v2;
	v3 =	vadd.s32 $0xC0, v3  }
0x6b: {  	v4 =	vadd.f32 v5, v4  }
.Ltmp5:
0x6c: {  	(pc) =	sbr.rel @p1 .LBB2_5-.Ltmp5, $4  }
0x6d: {  	v4 =	vmax.f32 v4, $0.0e+00  }
0x6e: {  	[tilespmem:v1+s17+$0x0] =	vst.idx.add.f32.msk $0xffff, v4  }
0x6f: {  	v2 =	vld.idx.msk [tilespmem:v2+s3+$0x0], $0xffff  }
0x70: {  	v3 =	vld.idx.msk [tilespmem:v3+s13+$0x0], $0xffff  }
0x71: {  	_ =	sdelay $0x2  }
.Ltmp6:
0x72: {  	_ = 	snop;
	(pc) =	sbr.rel @p0 .LBB2_10-.Ltmp6, $3  }
0x73: {  	v2 =	vadd.f32 v3, v2;
	_ =	sdelay $0x1  }
0x74: {  	v2 =	vmax.f32 v2, $0.0e+00  }
0x75: {  	[tilespmem:v1+s18+$0x0] =	vst.idx.add.f32.msk $0xffff, v2  }
0x76: {  	s22 =	smul.u32 $0x3000, s21;
	_ =	sdelay $0x1  }
0x77: {  	_ =	swait.ge [sflag:s19], $0x1800;
	s22 =	sshrl.u32 s22, $0x3  }
0x78: {  	s23 =	simm.s32 $0x0;
	[sflag:s19] =	ssyncset.done $0x0;
	s22 =	sadd.s32 s2, s22  }
0x79: {  	s31 =	simm.s32 $0x0;
	[sflag:s19] =	ssyncadd.s32 $0xFFFFE800;
	s22 =	sadd.s32 $0x600, s22  }
0x7a: {  	[tilespmem:s11], [sflag:$0x1] =	stream.linear.gather [hbm4b:s22+s23], $0x1800, $0x38;
	[tilespmem:$0x16D00] =	vst v63  }
0x7b: {  	v2 =	vld [tilespmem:s31+$0x15500]  }
0x7c: {  	v3 =	vld [tilespmem:s31+$0x16500];
	_ =	sdelay $0x5  }
0x7d: {  	v1 =	vld [tilespmem:s31+$0x15D00]  }
0x7e: {  	v4 =	vld.idx.msk [tilespmem:v2+s3+$0x0], $0xffff  }
0x7f: {  	v5 =	vld.idx.msk [tilespmem:v3+s13+$0x0], $0xffff;
	_ =	sdelay $0x3  }
0x80: {  	v6 =	vadd.s32 $0x2780, v2  }
0x81: {  	v7 =	vadd.s32 $0x40, v3;
	v4 =	vadd.f32 v5, v4;
	_ =	sdelay $0x1  }
0x82: {  	v4 =	vmax.f32 v4, $0.0e+00  }
0x83: {  	[tilespmem:v1+s15+$0x0] =	vst.idx.add.f32.msk $0xffff, v4  }
0x84: {  	v4 =	vld.idx.msk [tilespmem:v6+s3+$0x0], $0xffff  }
0x85: {  	v5 =	vld.idx.msk [tilespmem:v7+s13+$0x0], $0xffff;
	_ =	sdelay $0x3  }
0x86: {  	v62 =	vadd.s32 $0x4F00, v2  }
0x87: {  	v63 =	vadd.s32 $0x80, v3;
	v4 =	vadd.f32 v5, v4;
	_ =	sdelay $0x1  }
0x88: {  	v4 =	vmax.f32 v4, $0.0e+00  }
0x89: {  	[tilespmem:v1+s16+$0x0] =	vst.idx.add.f32.msk $0xffff, v4  }
0x8a: {  	v4 =	vld.idx.msk [tilespmem:v62+s3+$0x0], $0xffff  }
0x8b: {  	v5 =	vld.idx.msk [tilespmem:v63+s13+$0x0], $0xffff;
	_ =	sdelay $0x3  }
0x8c: {  	v2 =	vadd.s32 $0x7680, v2  }
0x8d: {  	v3 =	vadd.s32 $0xC0, v3;
	v4 =	vadd.f32 v5, v4;
	_ =	sdelay $0x1  }
0x8e: {  	v4 =	vmax.f32 v4, $0.0e+00  }
0x8f: {  	[tilespmem:v1+s17+$0x0] =	vst.idx.add.f32.msk $0xffff, v4  }
0x90: {  	v2 =	vld.idx.msk [tilespmem:v2+s3+$0x0], $0xffff  }
0x91: {  	s22 =	simm.s32 $0x40;
	v3 =	vld.idx.msk [tilespmem:v3+s13+$0x0], $0xffff  }
.LBB2_8:
0x92: {  	_ =	sdelay $0x2  }
0x93: {  	p0 =	sne.s32 s22, $0x1FC0;
	s23 =	smov.u32 s22;
	s22 =	sadd.s32 $0x40, s22  }
0x94: {  	v2 =	vadd.f32 v3, v2;
	_ =	sdelay $0x1  }
0x95: {  	v2 =	vmax.f32 v2, $0.0e+00  }
0x96: {  	s23 =	sshra.s32 s23, $0x2;
	[tilespmem:v1+s18+$0x0] =	vst.idx.add.f32.msk $0xffff, v2  }
0x97: {  	v2 =	vld [tilespmem:s23+$0x15500]  }
0x98: {  	v3 =	vld [tilespmem:s23+$0x16500];
	_ =	sdelay $0x5  }
0x99: {  	v1 =	vld [tilespmem:s23+$0x15D00]  }
0x9a: {  	v4 =	vld.idx.msk [tilespmem:v2+s3+$0x0], $0xffff  }
0x9b: {  	v5 =	vld.idx.msk [tilespmem:v3+s13+$0x0], $0xffff;
	_ =	sdelay $0x4  }
0x9c: {  	v6 =	vadd.s32 $0x2780, v2;
	v7 =	vadd.s32 $0x40, v3  }
0x9d: {  	v4 =	vadd.f32 v5, v4;
	_ =	sdelay $0x1  }
0x9e: {  	v4 =	vmax.f32 v4, $0.0e+00  }
0x9f: {  	[tilespmem:v1+s15+$0x0] =	vst.idx.add.f32.msk $0xffff, v4  }
0xa0: {  	v4 =	vld.idx.msk [tilespmem:v6+s3+$0x0], $0xffff  }
0xa1: {  	v5 =	vld.idx.msk [tilespmem:v7+s13+$0x0], $0xffff;
	_ =	sdelay $0x4  }
0xa2: {  	v6 =	vadd.s32 $0x4F00, v2;
	v7 =	vadd.s32 $0x80, v3  }
0xa3: {  	v4 =	vadd.f32 v5, v4;
	_ =	sdelay $0x1  }
0xa4: {  	v4 =	vmax.f32 v4, $0.0e+00  }
0xa5: {  	[tilespmem:v1+s16+$0x0] =	vst.idx.add.f32.msk $0xffff, v4  }
0xa6: {  	v4 =	vld.idx.msk [tilespmem:v6+s3+$0x0], $0xffff  }
0xa7: {  	v5 =	vld.idx.msk [tilespmem:v7+s13+$0x0], $0xffff;
	_ =	sdelay $0x4  }
0xa8: {  	v2 =	vadd.s32 $0x7680, v2;
	v3 =	vadd.s32 $0xC0, v3  }
0xa9: {  	v4 =	vadd.f32 v5, v4  }
.Ltmp7:
0xaa: {  	(pc) =	sbr.rel @p0 .LBB2_8-.Ltmp7, $4  }
0xab: {  	v4 =	vmax.f32 v4, $0.0e+00  }
0xac: {  	[tilespmem:v1+s17+$0x0] =	vst.idx.add.f32.msk $0xffff, v4  }
0xad: {  	v2 =	vld.idx.msk [tilespmem:v2+s3+$0x0], $0xffff  }
0xae: {  	v3 =	vld.idx.msk [tilespmem:v3+s13+$0x0], $0xffff  }
0xaf: {  	_ =	sdelay $0x2  }
.Ltmp8:
0xb0: {  	_ = 	snop;
	(pc) =	sbr.rel .LBB2_10-.Ltmp8, $3  }
0xb1: {  	v2 =	vadd.f32 v3, v2;
	_ =	sdelay $0x1  }
0xb2: {  	v2 =	vmax.f32 v2, $0.0e+00  }
0xb3: {  	[tilespmem:v1+s18+$0x0] =	vst.idx.add.f32.msk $0xffff, v2  }
.LBB2_12:
0xb4: {  	_ =	sfence.sel $0x180000  }
0xb5: {  	[bflag:$0x0] =	sbarrier.arrive $0xFFFF  }
0xb6: {  	p0 =	sne.s32 s1, $0x0;
	_ =	strace $0x90000047  }
0xb7: {  	s0 =	sadd.s32 @!p0 $0x100000, s0;
	[bflag:$0x2] =	sbarrier.arrive $0xFFFF  }
0xb8: {  	[sflag:s0] =	ssyncadd.tile.s32 @!p0 $0x1;
	_ =	shalt  }
.Lfunc_end2:
_tile_overlayer_lowered:
.L_overlay_start_2:
0xb9: {  	(tag) =	ssettag $0x2  }
0xba: {  	s0 =	rddreg [dreg:$0x0];
	s2 =	stileid.u32  }
0xbb: {  	s1 =	rddreg [dreg:$0x1];
	p0 =	sne.s32 s2, $0x0  }
0xbc: {  	s3 =	rddreg [dreg:$0x2];
	[bflag:$0x3] =	sbarrier.arrive $0xFFFF;
	s2 =	simm.s32 @!p0 $0x1C03  }
0xbd: {  	[timem:s3], [sflag:s2] =	dma.local @!p0 [hbm:s0], s1  }
0xbe: {  	s0 =	simm.s32 @!p0 $0x3  }
0xbf: {  	_ =	swait.ge @!p0 [sflag:s0], s1  }
0xc0: {  	s1 =	ssub.s32 @!p0 $0x0, s1;
	[sflag:s0] =	ssyncset.done @!p0 $0x0  }
0xc1: {  	[sflag:s0] =	ssyncadd.s32 @!p0 s1  }
0xc2: {  	[bflag:$0x3] =	sbarrier.arrive $0xFFFF  }
0xc3: {  	_ =	shalt  }

// kernel: kernel.9.cloned.1.call-start
scs
__scs_entry_jumppad:
0x0: {  	(pc) =	sbr.rel $0x88, $3  }
0x1: {  	(tag) =	ssettag $0x0;
	lr =	simm.s32 $0x1  }
0x2: {  	[smem:$0x3F86] =	sst lr;
	_ =	strace $0xD0000000  }
0x3: {  	_ = 	snop  }
0x4: {  	_ = 	snop  }
0x5: {  	_ = 	snop  }
0x6: {  	_ = 	snop  }
0x7: {  	_ = 	snop  }
__scs_overlays_trampoline_lowered:
0x8: {  	[smem:$0x3F95] =	sst s0  }
0x9: {  	[smem:$0x3F96] =	sst s1  }
0xa: {  	[smem:$0x3F97] =	sst s2  }
0xb: {  	[smem:$0x3F98] =	sst s3  }
0xc: {  	[smem:$0x3F99] =	sst s4  }
0xd: {  	[smem:$0x3F9A] =	sst s5  }
0xe: {  	[smem:$0x3F9B] =	sst s6  }
0xf: {  	[smem:$0x3F9C] =	sst s7  }
0x10: {  	[smem:$0x3F9D] =	sst s8  }
0x11: {  	[smem:$0x3F9E] =	sst s9;
	s0 =	simm.s32 @!p0 $0x0  }
0x12: {  	s1 =	sld [smem:$0x3F84];
	s0 =	simm.s32 @p0 $0x1  }
0x13: {  	[smem:$0x3F9F] =	sst s0;
	s0 =	simm.s32 @!p1 $0x0  }
0x14: {  	s2 =	sld [smem:$0x3F83];
	s0 =	simm.s32 @p1 $0x1  }
0x15: {  	[smem:$0x3FA0] =	sst s0;
	s0 =	simm.s32 @!p2 $0x0  }
0x16: {  	s3 =	sld [smem:$0x3FDB];
	s0 =	simm.s32 @p2 $0x1  }
0x17: {  	s4 =	simm.s32 $0x1BF5;
	[smem:$0x3FA2] =	sst s0  }
0x18: {  	s0 =	sld [smem:$0x3F85];
	_ =	swait.ge [sflag:s4], $0x0  }
0x19: {  	s7 =	sld [smem:$0x3F86]  }
0x1a: {  	s8 =	sadd.s32 $0xFFFFE003, lr  }
0x1b: {  	s9 =	sadd.s32 $0xFFFFFEF7, lr;
	s5 =	simm.s32 $0xFFFFFFFF;
	p2 =	slt.u32 s8, $0xFFFFF086  }
0x1c: {  	p1 =	slt.u32 s9, $0xF7A;
	s5 =	simm.s32 @!p2 $0x0  }
0x1d: {  	s5 =	simm.s32 @p1 $0x1;
	p0 =	seq.s32 s7, s2  }
0x1e: {  	s7 =	smul.u32 @!p0 $0xF7A, s2;
	p2 =	seq.s32 @!p0 s5, $0x0  }
0x1f: {  	s9 =	smul.u32 $0xF7A, s1;
	s8 =	simm.s32 @!p0 $0x1BF5;
	p2 =	por !p2, p0  }
0x20: {  	[sflag:s8] =	ssyncset.s32 @!p0 $0xFFFFF086;
	s6 =	sadd.s32 @!p0 s3, s7;
	s7 =	simm.s32 @!p0 $0x108  }
0x21: {  	s3 =	sadd.s32 s3, s9;
	s6 =	sadd.s32 @!p0 $0x88, s6;
	s7 =	simm.s32 @p2 $0x1082  }
0x22: {  	[simem:s7], [sflag:s8] =	dma.local @!p0 [hbm:s6], $0xF7A  }
0x23: {  	s9 =	sor.u32 $0xD0000000, s2;
	s6 =	simm.s32 $0x108;
	_ =	swait.ge @!p0 [sflag:s8], $0x0  }
0x24: {  	s3 =	sadd.s32 $0x88, s3;
	s6 =	simm.s32 @!p1 $0x1082;
	[sflag:s4] =	ssyncset.s32 $0xFFFFF086  }
0x25: {  	[simem:s6], [sflag:s4] =	dma.local [hbm:s3], $0xF7A  }
0x26: {  	[smem:$0x3F86] =	sst s1;
	(tag) =	ssettag s2;
	_ =	strace s9  }
0x27: {  	s1 =	sld [smem:$0x3F96]  }
0x28: {  	s2 =	sld [smem:$0x3F97]  }
0x29: {  	s4 =	sld [smem:$0x3F99]  }
0x2a: {  	p0 =	seq.s32 s5, $0x0;
	s5 =	sld [smem:$0x3F9A]  }
0x2b: {  	s6 =	sld [smem:$0x3F9B]  }
0x2c: {  	s7 =	sld [smem:$0x3F9C]  }
0x2d: {  	s3 =	simm.s32 $0x108;
	s8 =	sld [smem:$0x3F9D]  }
0x2e: {  	s3 =	simm.s32 @!p0 $0x1082;
	s9 =	sld [smem:$0x3F9E]  }
0x2f: {  	lr =	sadd.s32 s0, s3;
	s0 =	sld [smem:$0x3F95]  }
0x30: {  	s3 =	sld [smem:$0x3F98]  }
0x31: {  	[smem:$0x3FA1] =	sst s10  }
0x32: {  	s10 =	sld [smem:$0x3F9F];
	_ =	sdelay $0x3  }
0x33: {  	p0 =	seq.s32 s10, $0x1;
	s10 =	sld [smem:$0x3FA1];
	_ =	sdelay $0x3  }
0x34: {  	[smem:$0x3FA1] =	sst s10  }
0x35: {  	s10 =	sld [smem:$0x3FA0];
	_ =	sdelay $0x3  }
0x36: {  	p1 =	seq.s32 s10, $0x1;
	s10 =	sld [smem:$0x3FA1];
	_ =	sdelay $0x3  }
0x37: {  	[smem:$0x3FA1] =	sst s10  }
0x38: {  	s10 =	sld [smem:$0x3FA2]  }
0x39: {  	_ = 	snop;
	(pc) =	sbr.ind lr, $3  }
0x3a: {  	_ = 	snop  }
0x3b: {  	_ = 	snop  }
0x3c: {  	p2 =	seq.s32 s10, $0x1;
	s10 =	sld [smem:$0x3FA1]  }
0x3d: {  	_ =	shalt  }
0x3e: {  	_ =	shalt  }
0x3f: {  	_ =	shalt  }
0x40: {  	_ =	shalt  }
0x41: {  	_ =	shalt  }
0x42: {  	_ =	shalt  }
0x43: {  	_ =	shalt  }
0x44: {  	_ =	shalt  }
0x45: {  	_ =	shalt  }
0x46: {  	_ =	shalt  }
0x47: {  	_ =	shalt  }
0x48: {  	_ =	shalt  }
0x49: {  	_ =	shalt  }
0x4a: {  	_ =	shalt  }
0x4b: {  	_ =	shalt  }
0x4c: {  	_ =	shalt  }
0x4d: {  	_ =	shalt  }
0x4e: {  	_ =	shalt  }
0x4f: {  	_ =	shalt  }
0x50: {  	_ =	shalt  }
0x51: {  	_ =	shalt  }
0x52: {  	_ =	shalt  }
0x53: {  	_ =	shalt  }
0x54: {  	_ =	shalt  }
0x55: {  	_ =	shalt  }
0x56: {  	_ =	shalt  }
0x57: {  	_ =	shalt  }
0x58: {  	_ =	shalt  }
0x59: {  	_ =	shalt  }
0x5a: {  	_ =	shalt  }
0x5b: {  	_ =	shalt  }
0x5c: {  	_ =	shalt  }
0x5d: {  	_ =	shalt  }
0x5e: {  	_ =	shalt  }
0x5f: {  	_ =	shalt  }
0x60: {  	_ =	shalt  }
0x61: {  	_ =	shalt  }
0x62: {  	_ =	shalt  }
0x63: {  	_ =	shalt  }
0x64: {  	_ =	shalt  }
0x65: {  	_ =	shalt  }
0x66: {  	_ =	shalt  }
0x67: {  	_ =	shalt  }
0x68: {  	_ =	shalt  }
0x69: {  	_ =	shalt  }
0x6a: {  	_ =	shalt  }
0x6b: {  	_ =	shalt  }
0x6c: {  	_ =	shalt  }
0x6d: {  	_ =	shalt  }
0x6e: {  	_ =	shalt  }
0x6f: {  	_ =	shalt  }
0x70: {  	_ =	shalt  }
0x71: {  	_ =	shalt  }
0x72: {  	_ =	shalt  }
0x73: {  	_ =	shalt  }
0x74: {  	_ =	shalt  }
0x75: {  	_ =	shalt  }
0x76: {  	_ =	shalt  }
0x77: {  	_ =	shalt  }
0x78: {  	_ =	shalt  }
0x79: {  	_ =	shalt  }
0x7a: {  	_ =	shalt  }
0x7b: {  	_ =	shalt  }
0x7c: {  	_ =	shalt  }
0x7d: {  	_ =	shalt  }
0x7e: {  	_ =	shalt  }
0x7f: {  	_ =	shalt  }
0x80: {  	_ =	shalt  }
0x81: {  	_ =	shalt  }
0x82: {  	_ =	shalt  }
0x83: {  	_ =	shalt  }
0x84: {  	_ =	shalt  }
0x85: {  	_ =	shalt  }
0x86: {  	_ =	shalt  }
0x87: {  	_ =	shalt  }
.Lfunc_end0:
.L_simem_size_0:
called_computation.1_lowered:
.L_overlay_start_0:
0x88: {  	s2 =	sld [smem:$0x3FD9]  }
0x89: {  	s3 =	sld [smem:$0x3FFE];
	_ =	sdelay $0x1  }
0x8a: {  	s1 =	srdreg.scid  }
0x8b: {  	s0 =	sand.u32 $0x1, s1  }
0x8c: {  	s17 =	sshll.u32 s0, $0xA;
	s2 =	sadd.s32 s3, s2  }
0x8d: {  	s2 =	sadd.s32 s2, s17  }
0x8e: {  	[smem:$0x3FAD] =	sst s2  }
0x8f: {  	_ = 	snop  }
0x90: {  	s2 =	sld [smem:$0x3FD0];
	(tm) =	ssettm $0x1  }
0x91: {  	s18 =	sld [smem:$0x3FFB];
	_ =	sdelay $0x3  }
0x92: {  	_ =	strace s18  }
0x93: {  	s3 =	sld [smem:$0x3FFC];
	_ =	sdelay $0x3  }
0x94: {  	_ =	strace s3  }
0x95: {  	s3 =	sld [smem:$0x3FFD];
	_ =	sdelay $0x3  }
0x96: {  	_ =	strace s3  }
0x97: {  	_ =	strace $0x8FFFFFFF  }
0x98: {  	s19 =	sld [smem:$0x3FDB];
	_ =	sdelay $0x1  }
0x99: {  	s4 =	simm.s32 $_scs_section_size  }
0x9a: {  	s5 =	simm.s32 $_size__tile_overlayer_lowered;
	s6 =	simm.s32 $_tile_overlayer_lowered  }
0x9b: {  	s22 =	simm.s32 $0x1BFF;
	s21 =	sshll.u32 s6, $0x1;
	s3 =	sadd.s32 s4, s19  }
0x9c: {  	s7 =	simm.s32 $0x0;
	s20 =	sshll.u32 s5, $0x1;
	s5 =	sadd.s32 s21, s3  }
0x9d: {  	[timem:s7], [sflag:s22] =	dma.local [hbm:s5], s20  }
0x9e: {  	_ =	swait.ge [sflag:s22], s20  }
0x9f: {  	s4 =	ssub.s32 $0x0, s20;
	[sflag:s22] =	ssyncset.done $0x0  }
0xa0: {  	[sflag:s22] =	ssyncadd.s32 s4;
	_ =	sdelay $0x1  }
0xa1: {  	s23 =	simm.s32 $0x1B8B  }
0xa2: {  	_ =	swait.ge [sflag:s23], $0x1  }
0xa3: {  	[sflag:s23] =	ssyncset.done $0x0  }
0xa4: {  	s25 =	simm.s32 $0x1B8E;
	s24 =	sld [smem:$0x3FFE];
	[sflag:s23] =	ssyncadd.s32 $0xFFFFFFFF  }
0xa5: {  	s26 =	simm.s32 $execute0_lowered;
	[smem:$0x3FD2] =	sst s25  }
0xa6: {  	s5 =	sshll.u32 s26, $0x1;
	_ =	strace $0x80000049;
	[dreg:$0x1] =	wrdreg $0xFFFFFFFF  }
0xa7: {  	s28 =	simm.s32 $_size_execute0_lowered;
	s3 =	sadd.s32 s3, s5;
	[dreg:$0x0] =	wrdreg $0x0  }
0xa8: {  	s5 =	sshll.u32 s28, $0x1;
	[dreg:$0x2] =	wrdreg s3  }
0xa9: {  	[dreg:$0x3] =	wrdreg s5  }
0xaa: {  	[dreg:$0x4] =	wrdreg $0xC0  }
0xab: {  	_ =	task [dreg:s7], $0x5FFFF  }
0xac: {  	[dreg:$0x1] =	wrdreg $0xFFFFFFFF  }
0xad: {  	[dreg:$0x0] =	wrdreg $0x60  }
0xae: {  	[dreg:$0x2] =	wrdreg s24  }
0xaf: {  	[dreg:$0x3] =	wrdreg s2  }
0xb0: {  	[dreg:$0x4] =	wrdreg $0x9  }
0xb1: {  	_ =	task.clear_ibuf [dreg:s7], $0x5FFFF;
	_ =	strace $0x90000049  }
0xb2: {  	s29 =	simm.s32 $0x9;
	_ =	strace $0x8000004B  }
0xb3: {  	_ =	swait.ge [sflag:s29], $0x1  }
0xb4: {  	[sflag:s29] =	ssyncadd.s32 $0xFFFFFFFF  }
0xb5: {  	_ =	strace $0x9000004B  }
0xb6: {  	_ =	sfence  }
0xb7: {  	s30 =	sld [smem:$0x0];
	_ =	sdelay $0x2  }
0xb8: {  	s31 =	sshll.u32 s1, $0xD;
	s1 =	sshrl.u32 s1, $0x2  }
0xb9: {  	s3 =	sand.u32 $0x4000, s31;
	s1 =	sadd.s32 s1, s30  }
0xba: {  	s0 =	sor.u32 s3, s0;
	s1 =	sshll.u32 s1, $0x11  }
0xbb: {  	s0 =	sor.u32 s1, s0  }
0xbc: {  	s0 =	sadd.s32 $0x8F2B, s0  }
0xbd: {  	[sflag:s0] =	ssyncadd.remote.s32 $0x1  }
0xbe: {  	_ =	sfence.sel $0xFFFF  }
0xbf: {  	[dreg:$0x0] =	wrdreg $0xFFFFFFFF;
	(pc) =	sbr.abs _section_cstart, $3  }
0xc0: {  	[dreg:$0x1] =	wrdreg $0xFFFFFFFF  }
0xc1: {  	_ =	task.clear_ibuf [dreg:s7], $0x2FFFF;
	_ =	strace $0x9FFFFFFF  }
0xc2: {  	(tm) =	ssettm $0x7FFFFFFF  }
0xc3: {  	_ =	shalt  }
tec
execute0_lowered:
.L_overlay_start_1:
0x0: {  	(tag) =	ssettag $0x1  }
0x1: {  	s4 =	rddreg [dreg:$0x0]  }
0x2: {  	s0 =	srdreg.scid;
	s2 =	rddreg [dreg:$0x1]  }
0x3: {  	s1 =	stileid.u32;
	s3 =	simm.s32 $0x0;
	s11 =	simm.s32 $0x13D00  }
0x4: {  	s12 =	simm.s32 $0x3;
	s13 =	simm.s32 $0x13C00;
	s14 =	simm.s32 $0x1  }
0x5: {  	s15 =	simm.s32 $0x9E00;
	s16 =	simm.s32 $0xC580;
	s17 =	simm.s32 $0xED00  }
0x6: {  	s18 =	simm.s32 $0x11480;
	s19 =	simm.s32 $0x2;
	s20 =	simm.s32 $0x0  }
0x7: {  	s5 =	sand.u32 $0x1, s0;
	s0 =	rddreg [dreg:$0x2];
	s7 =	smul.u32 $0x9E00, s1  }
0x8: {  	[smem:$0x7FF] =	sst s3;
	s8 =	sshll.u32 s1, $0x5;
	s6 =	smul.u32 $0x9E000, s5  }
0x9: {  	_ =	strace $0x8000004A;
	s8 =	sadd.s32 s8, s4;
	s30 =	ssub.s32 $0x2, s5  }
.Ltmp0:
0xa: {  	s5 =	sshll.u32 s5, $0x9;
	s6 =	sadd.s32 s7, s6;
	(pc) =	sbr.rel .LBB2_1-.Ltmp0, $4  }
0xb: {  	s31 =	sshrl.u32 s30, $0x1;
	s5 =	sadd.s32 s5, s8;
	s6 =	sshrl.u32 s6, $0x3  }
0xc: {  	s10 =	ssub.s32 s30, s31;
	s5 =	sadd.s32 $0x52400, s5;
	s9 =	sadd.s32 s6, s4  }
0xd: {  	s10 =	smax.u32 s10, $0x1;
	s4 =	sadd.s32 $0x3000, s9;
	s6 =	sadd.s32 $0x2A800, s9  }
0xe: {  	v0 =	vimm.f32 $0.0e+00;
	s7 =	sadd.s32 $0x2ACF0, s9;
	s8 =	sadd.s32 $0x2B1E0, s9;
	s9 =	sadd.s32 $0x2B6D0, s9  }
.LBB2_11:
0xf: {  	[hbm4b:s6+s3] =	stream.linear.scatter [tilespmem:s15], [sflag:$0x3], $0x2780, $0x38;
	[tilespmem:$0x16D00] =	vst v63  }
0x10: {  	_ =	swait.ge [sflag:s12], $0x2780  }
0x11: {  	[sflag:s12] =	ssyncset.done $0x0  }
0x12: {  	[sflag:s12] =	ssyncadd.s32 $0xFFFFD880  }
0x13: {  	[hbm4b:s7+s3] =	stream.linear.scatter [tilespmem:s16], [sflag:$0x3], $0x2780, $0x38;
	[tilespmem:$0x16D00] =	vst v63  }
0x14: {  	_ =	swait.ge [sflag:s12], $0x2780  }
0x15: {  	[sflag:s12] =	ssyncset.done $0x0  }
0x16: {  	[sflag:s12] =	ssyncadd.s32 $0xFFFFD880  }
0x17: {  	[hbm4b:s8+s3] =	stream.linear.scatter [tilespmem:s17], [sflag:$0x3], $0x2780, $0x38;
	[tilespmem:$0x16D00] =	vst v63  }
0x18: {  	s20 =	sadd.s32 $0x1, s20;
	_ =	swait.ge [sflag:s12], $0x2780  }
0x19: {  	p0 =	sne.s32 s20, s10;
	[sflag:s12] =	ssyncset.done $0x0  }
.Ltmp1:
0x1a: {  	[sflag:s12] =	ssyncadd.s32 $0xFFFFD880;
	(pc) =	sbr.rel @!p0 .LBB2_12-.Ltmp1, $4  }
0x1b: {  	[hbm4b:s9+s3] =	stream.linear.scatter [tilespmem:s18], [sflag:$0x3], $0x2780, $0x38;
	[tilespmem:$0x16D00] =	vst v63  }
0x1c: {  	_ =	swait.ge [sflag:s12], $0x2780  }
0x1d: {  	[sflag:s12] =	ssyncset.done $0x0  }
0x1e: {  	[sflag:s12] =	ssyncadd.s32 $0xFFFFD880  }
.LBB2_1:
0x1f: {  	[tilespmem:s11], [sflag:$0x1] =	stream.linear.gather [hbm4b:s2+s3], $0x1800, $0x38;
	[tilespmem:$0x16D00] =	vst v63  }
0x20: {  	_ = 	snop  }
0x21: {  	[tilespmem:s3], [sflag:$0x3] =	stream.linear.gather [hbm4b:s4+s3], $0x9E00, $0x38;
	[tilespmem:$0x16D00] =	vst v63  }
0x22: {  	_ =	swait.ge [sflag:s12], $0x9E00  }
0x23: {  	[sflag:s12] =	ssyncset.done $0x0  }
0x24: {  	[sflag:s12] =	ssyncadd.s32 $0xFFFF6200  }
0x25: {  	[tilespmem:s13], [sflag:$0x3] =	stream.linear.gather [hbm4b:s5+s3], $0x100, $0x38;
	[tilespmem:$0x16D00] =	vst v63  }
0x26: {  	_ =	swait.ge [sflag:s12], $0x100  }
0x27: {  	[sflag:s12] =	ssyncset.done $0x0  }
0x28: {  	s21 =	simm.s32 $0x40;
	s22 =	simm.s32 $0x0;
	[sflag:s12] =	ssyncadd.s32 $0xFFFFFF00  }
.LBB2_2:
0x29: {  	p0 =	sne.s32 s21, $0x9DC0;
	[tilespmem:s22+$0x11480] =	vst v0;
	s23 =	smov.u32 s21;
	s21 =	sadd.s32 $0x40, s21  }
.Ltmp2:
0x2a: {  	[tilespmem:s22+$0xED00] =	vst v0;
	(pc) =	sbr.rel @p0 .LBB2_2-.Ltmp2, $3  }
0x2b: {  	[tilespmem:s22+$0x9E00] =	vst v0  }
0x2c: {  	[tilespmem:s22+$0xC580] =	vst v0;
	_ =	sdelay $0x1  }
0x2d: {  	s22 =	sshra.s32 s23, $0x2  }
.Ltmp3:
0x2e: {  	(pc) =	sbr.rel .LBB2_4-.Ltmp3, $4  }
0x2f: {  	[tilespmem:s22+$0x11480] =	vst v0  }
0x30: {  	[tilespmem:s22+$0xED00] =	vst v0  }
0x31: {  	[tilespmem:s22+$0x9E00] =	vst v0  }
0x32: {  	s21 =	simm.s32 $0x0;
	[tilespmem:s22+$0xC580] =	vst v0  }
.LBB2_10:
0x33: {  	s21 =	sadd.s32 $0x1, s21  }
0x34: {  	p0 =	sne.s32 s21, $0x4F  }
.Ltmp4:
0x35: {  	_ = 	snop;
	(pc) =	sbr.rel @!p0 .LBB2_11-.Ltmp4, $1  }
0x36: {  	_ =	sdelay $0x3  }
.LBB2_4:
0x37: {  	s22 =	sshllo.u32 s21, $0x1  }
0x38: {  	_ =	swait.ge [sflag:s14], $0x1800;
	p0 =	sgt.u32 s22, $0x9C  }
0x39: {  	[sflag:s14] =	ssyncset.done $0x0;
	s22 =	smul.u32 @!p0 $0x300, s22  }
0x3a: {  	s31 =	simm.s32 $0x0;
	[sflag:s14] =	ssyncadd.s32 $0xFFFFE800  }
0x3b: {  	s23 =	simm.s32 @!p0 $0x0;
	s24 =	simm.s32 @!p0 $0x15500;
	s22 =	sadd.s32 @!p0 s2, s22  }
0x3c: {  	[tilespmem:s24], [sflag:$0x2] =	stream.linear.gather @!p0 [hbm4b:s22+s23], $0x1800, $0x38;
	[tilespmem:$0x16D00] =	vst v63  }
0x3d: {  	v2 =	vld [tilespmem:s31+$0x13D00]  }
0x3e: {  	v3 =	vld [tilespmem:s31+$0x14D00];
	_ =	sdelay $0x5  }
0x3f: {  	v1 =	vld [tilespmem:s31+$0x14500]  }
0x40: {  	v4 =	vld.idx.msk [tilespmem:v2+s3+$0x0], $0xffff  }
0x41: {  	v5 =	vld.idx.msk [tilespmem:v3+s13+$0x0], $0xffff;
	_ =	sdelay $0x3  }
0x42: {  	v6 =	vadd.s32 $0x2780, v2  }
0x43: {  	v7 =	vadd.s32 $0x40, v3;
	v4 =	vadd.f32 v5, v4;
	_ =	sdelay $0x1  }
0x44: {  	v4 =	vmax.f32 v4, $0.0e+00  }
0x45: {  	[tilespmem:v1+s15+$0x0] =	vst.idx.add.f32.msk $0xffff, v4  }
0x46: {  	v4 =	vld.idx.msk [tilespmem:v6+s3+$0x0], $0xffff  }
0x47: {  	v5 =	vld.idx.msk [tilespmem:v7+s13+$0x0], $0xffff;
	_ =	sdelay $0x3  }
0x48: {  	v62 =	vadd.s32 $0x4F00, v2  }
0x49: {  	v63 =	vadd.s32 $0x80, v3;
	v4 =	vadd.f32 v5, v4;
	_ =	sdelay $0x1  }
0x4a: {  	v4 =	vmax.f32 v4, $0.0e+00  }
0x4b: {  	[tilespmem:v1+s16+$0x0] =	vst.idx.add.f32.msk $0xffff, v4  }
0x4c: {  	v4 =	vld.idx.msk [tilespmem:v62+s3+$0x0], $0xffff  }
0x4d: {  	v5 =	vld.idx.msk [tilespmem:v63+s13+$0x0], $0xffff;
	_ =	sdelay $0x3  }
0x4e: {  	v2 =	vadd.s32 $0x7680, v2  }
0x4f: {  	v3 =	vadd.s32 $0xC0, v3;
	v4 =	vadd.f32 v5, v4;
	_ =	sdelay $0x1  }
0x50: {  	v4 =	vmax.f32 v4, $0.0e+00  }
0x51: {  	[tilespmem:v1+s17+$0x0] =	vst.idx.add.f32.msk $0xffff, v4  }
0x52: {  	v2 =	vld.idx.msk [tilespmem:v2+s3+$0x0], $0xffff  }
0x53: {  	s22 =	simm.s32 $0x40;
	v3 =	vld.idx.msk [tilespmem:v3+s13+$0x0], $0xffff  }
.LBB2_5:
0x54: {  	_ =	sdelay $0x2  }
0x55: {  	p1 =	sne.s32 s22, $0x1FC0;
	s23 =	smov.u32 s22;
	s22 =	sadd.s32 $0x40, s22  }
0x56: {  	v2 =	vadd.f32 v3, v2;
	_ =	sdelay $0x1  }
0x57: {  	v2 =	vmax.f32 v2, $0.0e+00  }
0x58: {  	s23 =	sshra.s32 s23, $0x2;
	[tilespmem:v1+s18+$0x0] =	vst.idx.add.f32.msk $0xffff, v2  }
0x59: {  	v2 =	vld [tilespmem:s23+$0x13D00]  }
0x5a: {  	v3 =	vld [tilespmem:s23+$0x14D00];
	_ =	sdelay $0x5  }
0x5b: {  	v1 =	vld [tilespmem:s23+$0x14500]  }
0x5c: {  	v4 =	vld.idx.msk [tilespmem:v2+s3+$0x0], $0xffff  }
0x5d: {  	v5 =	vld.idx.msk [tilespmem:v3+s13+$0x0], $0xffff;
	_ =	sdelay $0x4  }
0x5e: {  	v6 =	vadd.s32 $0x2780, v2;
	v7 =	vadd.s32 $0x40, v3  }
0x5f: {  	v4 =	vadd.f32 v5, v4;
	_ =	sdelay $0x1  }
0x60: {  	v4 =	vmax.f32 v4, $0.0e+00  }
0x61: {  	[tilespmem:v1+s15+$0x0] =	vst.idx.add.f32.msk $0xffff, v4  }
0x62: {  	v4 =	vld.idx.msk [tilespmem:v6+s3+$0x0], $0xffff  }
0x63: {  	v5 =	vld.idx.msk [tilespmem:v7+s13+$0x0], $0xffff;
	_ =	sdelay $0x4  }
0x64: {  	v6 =	vadd.s32 $0x4F00, v2;
	v7 =	vadd.s32 $0x80, v3  }
0x65: {  	v4 =	vadd.f32 v5, v4;
	_ =	sdelay $0x1  }
0x66: {  	v4 =	vmax.f32 v4, $0.0e+00  }
0x67: {  	[tilespmem:v1+s16+$0x0] =	vst.idx.add.f32.msk $0xffff, v4  }
0x68: {  	v4 =	vld.idx.msk [tilespmem:v6+s3+$0x0], $0xffff  }
0x69: {  	v5 =	vld.idx.msk [tilespmem:v7+s13+$0x0], $0xffff;
	_ =	sdelay $0x4  }
0x6a: {  	v2 =	vadd.s32 $0x7680, v2;
	v3 =	vadd.s32 $0xC0, v3  }
0x6b: {  	v4 =	vadd.f32 v5, v4  }
.Ltmp5:
0x6c: {  	(pc) =	sbr.rel @p1 .LBB2_5-.Ltmp5, $4  }
0x6d: {  	v4 =	vmax.f32 v4, $0.0e+00  }
0x6e: {  	[tilespmem:v1+s17+$0x0] =	vst.idx.add.f32.msk $0xffff, v4  }
0x6f: {  	v2 =	vld.idx.msk [tilespmem:v2+s3+$0x0], $0xffff  }
0x70: {  	v3 =	vld.idx.msk [tilespmem:v3+s13+$0x0], $0xffff  }
0x71: {  	_ =	sdelay $0x2  }
.Ltmp6:
0x72: {  	_ = 	snop;
	(pc) =	sbr.rel @p0 .LBB2_10-.Ltmp6, $3  }
0x73: {  	v2 =	vadd.f32 v3, v2;
	_ =	sdelay $0x1  }
0x74: {  	v2 =	vmax.f32 v2, $0.0e+00  }
0x75: {  	[tilespmem:v1+s18+$0x0] =	vst.idx.add.f32.msk $0xffff, v2  }
0x76: {  	s22 =	smul.u32 $0x3000, s21;
	_ =	sdelay $0x1  }
0x77: {  	_ =	swait.ge [sflag:s19], $0x1800;
	s22 =	sshrl.u32 s22, $0x3  }
0x78: {  	s23 =	simm.s32 $0x0;
	[sflag:s19] =	ssyncset.done $0x0;
	s22 =	sadd.s32 s2, s22  }
0x79: {  	s31 =	simm.s32 $0x0;
	[sflag:s19] =	ssyncadd.s32 $0xFFFFE800;
	s22 =	sadd.s32 $0x600, s22  }
0x7a: {  	[tilespmem:s11], [sflag:$0x1] =	stream.linear.gather [hbm4b:s22+s23], $0x1800, $0x38;
	[tilespmem:$0x16D00] =	vst v63  }
0x7b: {  	v2 =	vld [tilespmem:s31+$0x15500]  }
0x7c: {  	v3 =	vld [tilespmem:s31+$0x16500];
	_ =	sdelay $0x5  }
0x7d: {  	v1 =	vld [tilespmem:s31+$0x15D00]  }
0x7e: {  	v4 =	vld.idx.msk [tilespmem:v2+s3+$0x0], $0xffff  }
0x7f: {  	v5 =	vld.idx.msk [tilespmem:v3+s13+$0x0], $0xffff;
	_ =	sdelay $0x3  }
0x80: {  	v6 =	vadd.s32 $0x2780, v2  }
0x81: {  	v7 =	vadd.s32 $0x40, v3;
	v4 =	vadd.f32 v5, v4;
	_ =	sdelay $0x1  }
0x82: {  	v4 =	vmax.f32 v4, $0.0e+00  }
0x83: {  	[tilespmem:v1+s15+$0x0] =	vst.idx.add.f32.msk $0xffff, v4  }
0x84: {  	v4 =	vld.idx.msk [tilespmem:v6+s3+$0x0], $0xffff  }
0x85: {  	v5 =	vld.idx.msk [tilespmem:v7+s13+$0x0], $0xffff;
	_ =	sdelay $0x3  }
0x86: {  	v62 =	vadd.s32 $0x4F00, v2  }
0x87: {  	v63 =	vadd.s32 $0x80, v3;
	v4 =	vadd.f32 v5, v4;
	_ =	sdelay $0x1  }
0x88: {  	v4 =	vmax.f32 v4, $0.0e+00  }
0x89: {  	[tilespmem:v1+s16+$0x0] =	vst.idx.add.f32.msk $0xffff, v4  }
0x8a: {  	v4 =	vld.idx.msk [tilespmem:v62+s3+$0x0], $0xffff  }
0x8b: {  	v5 =	vld.idx.msk [tilespmem:v63+s13+$0x0], $0xffff;
	_ =	sdelay $0x3  }
0x8c: {  	v2 =	vadd.s32 $0x7680, v2  }
0x8d: {  	v3 =	vadd.s32 $0xC0, v3;
	v4 =	vadd.f32 v5, v4;
	_ =	sdelay $0x1  }
0x8e: {  	v4 =	vmax.f32 v4, $0.0e+00  }
0x8f: {  	[tilespmem:v1+s17+$0x0] =	vst.idx.add.f32.msk $0xffff, v4  }
0x90: {  	v2 =	vld.idx.msk [tilespmem:v2+s3+$0x0], $0xffff  }
0x91: {  	s22 =	simm.s32 $0x40;
	v3 =	vld.idx.msk [tilespmem:v3+s13+$0x0], $0xffff  }
.LBB2_8:
0x92: {  	_ =	sdelay $0x2  }
0x93: {  	p0 =	sne.s32 s22, $0x1FC0;
	s23 =	smov.u32 s22;
	s22 =	sadd.s32 $0x40, s22  }
0x94: {  	v2 =	vadd.f32 v3, v2;
	_ =	sdelay $0x1  }
0x95: {  	v2 =	vmax.f32 v2, $0.0e+00  }
0x96: {  	s23 =	sshra.s32 s23, $0x2;
	[tilespmem:v1+s18+$0x0] =	vst.idx.add.f32.msk $0xffff, v2  }
0x97: {  	v2 =	vld [tilespmem:s23+$0x15500]  }
0x98: {  	v3 =	vld [tilespmem:s23+$0x16500];
	_ =	sdelay $0x5  }
0x99: {  	v1 =	vld [tilespmem:s23+$0x15D00]  }
0x9a: {  	v4 =	vld.idx.msk [tilespmem:v2+s3+$0x0], $0xffff  }
0x9b: {  	v5 =	vld.idx.msk [tilespmem:v3+s13+$0x0], $0xffff;
	_ =	sdelay $0x4  }
0x9c: {  	v6 =	vadd.s32 $0x2780, v2;
	v7 =	vadd.s32 $0x40, v3  }
0x9d: {  	v4 =	vadd.f32 v5, v4;
	_ =	sdelay $0x1  }
0x9e: {  	v4 =	vmax.f32 v4, $0.0e+00  }
0x9f: {  	[tilespmem:v1+s15+$0x0] =	vst.idx.add.f32.msk $0xffff, v4  }
0xa0: {  	v4 =	vld.idx.msk [tilespmem:v6+s3+$0x0], $0xffff  }
0xa1: {  	v5 =	vld.idx.msk [tilespmem:v7+s13+$0x0], $0xffff;
	_ =	sdelay $0x4  }
0xa2: {  	v6 =	vadd.s32 $0x4F00, v2;
	v7 =	vadd.s32 $0x80, v3  }
0xa3: {  	v4 =	vadd.f32 v5, v4;
	_ =	sdelay $0x1  }
0xa4: {  	v4 =	vmax.f32 v4, $0.0e+00  }
0xa5: {  	[tilespmem:v1+s16+$0x0] =	vst.idx.add.f32.msk $0xffff, v4  }
0xa6: {  	v4 =	vld.idx.msk [tilespmem:v6+s3+$0x0], $0xffff  }
0xa7: {  	v5 =	vld.idx.msk [tilespmem:v7+s13+$0x0], $0xffff;
	_ =	sdelay $0x4  }
0xa8: {  	v2 =	vadd.s32 $0x7680, v2;
	v3 =	vadd.s32 $0xC0, v3  }
0xa9: {  	v4 =	vadd.f32 v5, v4  }
.Ltmp7:
0xaa: {  	(pc) =	sbr.rel @p0 .LBB2_8-.Ltmp7, $4  }
0xab: {  	v4 =	vmax.f32 v4, $0.0e+00  }
0xac: {  	[tilespmem:v1+s17+$0x0] =	vst.idx.add.f32.msk $0xffff, v4  }
0xad: {  	v2 =	vld.idx.msk [tilespmem:v2+s3+$0x0], $0xffff  }
0xae: {  	v3 =	vld.idx.msk [tilespmem:v3+s13+$0x0], $0xffff  }
0xaf: {  	_ =	sdelay $0x2  }
.Ltmp8:
0xb0: {  	_ = 	snop;
	(pc) =	sbr.rel .LBB2_10-.Ltmp8, $3  }
0xb1: {  	v2 =	vadd.f32 v3, v2;
	_ =	sdelay $0x1  }
0xb2: {  	v2 =	vmax.f32 v2, $0.0e+00  }
0xb3: {  	[tilespmem:v1+s18+$0x0] =	vst.idx.add.f32.msk $0xffff, v2  }
.LBB2_12:
0xb4: {  	_ =	sfence.sel $0x180000  }
0xb5: {  	[bflag:$0x0] =	sbarrier.arrive $0xFFFF  }
0xb6: {  	p0 =	sne.s32 s1, $0x0;
	_ =	strace $0x9000004A  }
0xb7: {  	s0 =	sadd.s32 @!p0 $0x100000, s0;
	[bflag:$0x2] =	sbarrier.arrive $0xFFFF  }
0xb8: {  	[sflag:s0] =	ssyncadd.tile.s32 @!p0 $0x1;
	_ =	shalt  }
.Lfunc_end2:
_tile_overlayer_lowered:
.L_overlay_start_2:
0xb9: {  	(tag) =	ssettag $0x2  }
0xba: {  	s0 =	rddreg [dreg:$0x0];
	s2 =	stileid.u32  }
0xbb: {  	s1 =	rddreg [dreg:$0x1];
	p0 =	sne.s32 s2, $0x0  }
0xbc: {  	s3 =	rddreg [dreg:$0x2];
	[bflag:$0x3] =	sbarrier.arrive $0xFFFF;
	s2 =	simm.s32 @!p0 $0x1C03  }
0xbd: {  	[timem:s3], [sflag:s2] =	dma.local @!p0 [hbm:s0], s1  }
0xbe: {  	s0 =	simm.s32 @!p0 $0x3  }
0xbf: {  	_ =	swait.ge @!p0 [sflag:s0], s1  }
0xc0: {  	s1 =	ssub.s32 @!p0 $0x0, s1;
	[sflag:s0] =	ssyncset.done @!p0 $0x0  }
0xc1: {  	[sflag:s0] =	ssyncadd.s32 @!p0 s1  }
0xc2: {  	[bflag:$0x3] =	sbarrier.arrive $0xFFFF  }
0xc3: {  	_ =	shalt  }

</sc_bundles>
